<compile_context>
chip_gen: v7x
topology: tpu7x:2x2x1
jax: 0.10.2.dev20260603
libtpu: 0.0.44.dev20260713+nightly
codegen_flags: <defaults>
</compile_context>

<pallas_src>
import jax
import jax.numpy as jnp
import numpy as np
from jax import lax
from jax.experimental import pallas as pl
from jax.experimental.pallas import tpu as pltpu
from jax.experimental.pallas import tpu_sc as plsc

_MASK_RATIO = 0.4
_SCATTER_CHUNK = 128
_COPY_ROWS = 625

_consts_cache = {}


def _tf2x32(k1, k2, x1, x2):
    rot = [np.uint32([13, 15, 26, 6]), np.uint32([17, 29, 16, 24])]
    ks = [np.uint32(k1), np.uint32(k2),
          np.uint32(k1) ^ np.uint32(k2) ^ np.uint32(0x1BD11BDA)]
    x = [x1.astype(np.uint32) + ks[0], x2.astype(np.uint32) + ks[1]]
    for i in range(5):
        for r in rot[i % 2]:
            x[0] = x[0] + x[1]
            x[1] = (x[1] << r) | (x[1] >> np.uint32(32 - r))
            x[1] = x[0] ^ x[1]
        x[0] = x[0] + ks[(i + 1) % 3]
        x[1] = x[1] + ks[(i + 2) % 3] + np.uint32(i + 1)
    return x[0], x[1]


def _np_permutation(seed, n):
    key = (np.uint32(seed >> 32), np.uint32(seed & 0xFFFFFFFF))
    x = np.arange(n, dtype=np.int32)
    num_rounds = int(np.ceil(3 * np.log(max(1, n)) / np.log(2**32 - 1)))
    for _ in range(num_rounds):
        b1, b2 = _tf2x32(key[0], key[1], np.zeros(2, np.uint32),
                         np.arange(2, dtype=np.uint32))
        key, sub = (b1[0], b2[0]), (b1[1], b2[1])
        c1, c2 = _tf2x32(sub[0], sub[1], np.zeros(n, np.uint32),
                         np.arange(n, dtype=np.uint32))
        x = x[np.argsort(c1 ^ c2, kind="stable")]
    return x


def _mask_constants(n, num_workers):
    ck = (n, num_workers)
    if ck not in _consts_cache:
        num_mask = int(n * _MASK_RATIO)
        perm = _np_permutation(42, n)
        idx = np.sort(perm[:num_mask]).astype(np.int32)
        mask = np.zeros((n,), dtype=bool)
        mask[idx] = True
        rpw = n // num_workers
        bounds = np.searchsorted(idx, np.arange(num_workers + 1) * rpw)
        counts = np.diff(bounds)
        nch = max(1, -(-int(counts.max()) // _SCATTER_CHUNK))
        padded = np.empty((num_workers, nch * _SCATTER_CHUNK), np.int32)
        for w in range(num_workers):
            wi = idx[bounds[w]:bounds[w + 1]]
            pad_val = wi[0] if wi.size else idx[0]
            padded[w, :wi.size] = wi
            padded[w, wi.size:] = pad_val
        _consts_cache[ck] = (
            mask, padded.reshape(num_workers, nch, _SCATTER_CHUNK), nch)
    return _consts_cache[ck]


def _build_sc_call(n, d, nch, dtype):
    info = plsc.get_sparse_core_info()
    nc, ns = info.num_cores, info.num_subcores
    nw = nc * ns
    rpw = n // nw
    n_copy = -(-rpw // _COPY_ROWS)
    mesh = plsc.VectorSubcoreMesh(core_axis_name="c", subcore_axis_name="s")

    def body(voxel, tok_rows, idx_hbm, out, buf, tok_v, idx_v, sem):
        w = lax.axis_index("s") * nc + lax.axis_index("c")
        base = w * rpw
        pltpu.sync_copy(tok_rows, tok_v)
        pltpu.sync_copy(idx_hbm.at[w], idx_v)
        for i in range(n_copy):
            off = base + i * _COPY_ROWS
            pltpu.sync_copy(voxel.at[pl.ds(off, _COPY_ROWS)], buf)
            pltpu.sync_copy(buf, out.at[pl.ds(off, _COPY_ROWS)])
        copies = [pltpu.async_copy(tok_v, out.at[idx_v.at[j]], sem)
                  for j in range(nch)]
        for cp in copies:
            cp.wait()

    return pl.kernel(
        body,
        out_type=jax.ShapeDtypeStruct((n, d), dtype),
        mesh=mesh,
        scratch_types=[
            pltpu.VMEM((_COPY_ROWS, d), dtype),
            pltpu.VMEM((_SCATTER_CHUNK, d), dtype),
            pltpu.VMEM((nch, _SCATTER_CHUNK), jnp.int32),
            pltpu.SemaphoreType.DMA,
        ],
        compiler_params=pltpu.CompilerParams(use_tc_tiling_on_sc=False),
    ), nw


def kernel(voxel_features, mask_token):
    n, d = voxel_features.shape
    dtype = voxel_features.dtype
    info = plsc.get_sparse_core_info()
    nw = info.num_cores * info.num_subcores
    mask_np, idx_np, nch = _mask_constants(n, nw)
    call, _ = _build_sc_call(n, d, nch, dtype)
    tok_rows = jnp.broadcast_to(
        mask_token.astype(dtype)[None, :], (_SCATTER_CHUNK, d))
    masked = call(voxel_features, tok_rows, jnp.asarray(idx_np))
    return masked, jnp.asarray(mask_np)

# --- scband reference (transcript-rebuilt; emitter-appended) ---
"""Pipeline reference for scband-voxel-masker-58360015618529 (READ-ONLY COPY).

The authoritative reference and input builder live on the scoring server;
editing this copy changes nothing except your own understanding.
"""

import jax, jax.numpy as jnp
import numpy as np

N = 200000
D = 128
MASK_RATIO = 0.4


def setup_inputs(seed: int = 0) -> dict:
    key = jax.random.key(seed)
    k1, k2 = jax.random.split(key)
    voxel_features = jax.random.normal(k1, (N, D), dtype=jnp.float32)
    # learned [MASK] token parameter, init normal(std=0.02) like the torch module
    mask_token = 0.02 * jax.random.normal(k2, (D,), dtype=jnp.float32)
    return {"voxel_features": voxel_features, "mask_token": mask_token}


def reference(voxel_features, mask_token):
    n = voxel_features.shape[0]
    num_mask = int(n * MASK_RATIO)
    # deterministic stand-in for torch.randperm
    perm = jax.random.permutation(jax.random.key(42), n)
    mask_indices = perm[:num_mask]
    mask = jnp.zeros((n,), dtype=bool).at[mask_indices].set(True)
    # masked_features[mask] = mask_token  (scatter-overwrite of rows)
    masked_features = jnp.where(
        mask[:, None],
        mask_token[None, :].astype(voxel_features.dtype),
        voxel_features,
    )
    return (masked_features, mask)

if __name__ == "__main__":
    import jax
    _d = setup_inputs()
    print(jax.jit(kernel)(*tuple(_d.values())))

</pallas_src>

<mosaic_0001>
#map = affine_map<(d0, d1) -> (0, 0)>
#map1 = affine_map<(d0, d1) -> (0, 0, 0)>
module attributes {stable_mosaic.version = 14 : i64} {
  func.func @body(%arg0: i32, %arg1: i32, %arg2: memref<200000x128xf32, #tpu.memory_space<hbm>>, %arg3: memref<128x128xf32, #tpu.memory_space<hbm>>, %arg4: memref<32x21x128xi32, #tpu.memory_space<hbm>>, %arg5: memref<200000x128xf32, #tpu.memory_space<hbm>>, %arg6: memref<625x128xf32, #tpu.memory_space<vmem>>, %arg7: memref<128x128xf32, #tpu.memory_space<vmem>>, %arg8: memref<21x128xi32, #tpu.memory_space<vmem>>, %arg9: memref<!tpu.dma_semaphore, #tpu.memory_space<semaphore_mem>>) attributes {dimension_semantics = [#tpu.dimension_semantics<core_parallel>, #tpu.dimension_semantics<subcore_parallel>], iteration_bounds = array<i64: 2, 16>, scalar_prefetch = 0 : i64, scratch_operands = 4 : i64, tpu.core_type = #tpu.core_type<sc_vector_subcore>, window_params = [{transform_indices = #map}, {transform_indices = #map}, {transform_indices = #map1}, {transform_indices = #map}]} {
    %mul3A = arith.constant 2 : i32
    %mul3A_0 = arith.muli %arg1, %mul3A : i32
    %add3A = arith.addi %mul3A_0, %arg0 : i32
    %mul3A_1 = arith.constant 6250 : i32
    %mul3A_2 = arith.muli %add3A, %mul3A_1 : i32
    "tpu.region"() ({
      %run_scoped3A = tpu.sem_alloc : memref<!tpu.dma_semaphore, #tpu.memory_space<semaphore_mem>>
      tpu.enqueue_dma source(%arg3 : memref<128x128xf32, #tpu.memory_space<hbm>>) target(%arg7 : memref<128x128xf32, #tpu.memory_space<vmem>>) target_semaphore(%run_scoped3A : memref<!tpu.dma_semaphore, #tpu.memory_space<semaphore_mem>>)
      tpu.wait_dma2 semaphore(%run_scoped3A : memref<!tpu.dma_semaphore, #tpu.memory_space<semaphore_mem>>) src(%arg3 : memref<128x128xf32, #tpu.memory_space<hbm>>) dst(%arg7 : memref<128x128xf32, #tpu.memory_space<vmem>>)
      tpu.yield
    }) : () -> ()
    "tpu.region"() ({
      %run_scoped3A = tpu.sem_alloc : memref<!tpu.dma_semaphore, #tpu.memory_space<semaphore_mem>>
      %dma_start3A_315 = arith.constant 0 : i32
      %dma_start3A_316 = arith.constant 0 : i32
      %dma_start3A_317 = tpu.memref_slice %arg4[%add3A, %dma_start3A_315, %dma_start3A_316] : memref<32x21x128xi32, #tpu.memory_space<hbm>> -> memref<1x21x128xi32, #tpu.memory_space<hbm>>
      %dma_start3A_318 = tpu.memref_squeeze %dma_start3A_317 : memref<1x21x128xi32, #tpu.memory_space<hbm>> -> memref<21x128xi32, #tpu.memory_space<hbm>>
      %dma_start3A_319 = arith.constant 0 : i32
      %dma_start3A_320 = arith.constant 0 : i32
      %dma_start3A_321 = tpu.memref_slice %arg4[%add3A, %dma_start3A_319, %dma_start3A_320] : memref<32x21x128xi32, #tpu.memory_space<hbm>> -> memref<1x21x128xi32, #tpu.memory_space<hbm>>
      %dma_start3A_322 = tpu.memref_squeeze %dma_start3A_321 : memref<1x21x128xi32, #tpu.memory_space<hbm>> -> memref<21x128xi32, #tpu.memory_space<hbm>>
      tpu.enqueue_dma source(%dma_start3A_322 : memref<21x128xi32, #tpu.memory_space<hbm>>) target(%arg8 : memref<21x128xi32, #tpu.memory_space<vmem>>) target_semaphore(%run_scoped3A : memref<!tpu.dma_semaphore, #tpu.memory_space<semaphore_mem>>)
      %dma_wait3A_323 = arith.constant 0 : i32
      %dma_wait3A_324 = arith.constant 0 : i32
      %dma_wait3A_325 = tpu.memref_slice %arg4[%add3A, %dma_wait3A_323, %dma_wait3A_324] : memref<32x21x128xi32, #tpu.memory_space<hbm>> -> memref<1x21x128xi32, #tpu.memory_space<hbm>>
      %dma_wait3A_326 = tpu.memref_squeeze %dma_wait3A_325 : memref<1x21x128xi32, #tpu.memory_space<hbm>> -> memref<21x128xi32, #tpu.memory_space<hbm>>
      %dma_wait3A_327 = arith.constant 0 : i32
      %dma_wait3A_328 = arith.constant 0 : i32
      %dma_wait3A_329 = tpu.memref_slice %arg4[%add3A, %dma_wait3A_327, %dma_wait3A_328] : memref<32x21x128xi32, #tpu.memory_space<hbm>> -> memref<1x21x128xi32, #tpu.memory_space<hbm>>
      %dma_wait3A_330 = tpu.memref_squeeze %dma_wait3A_329 : memref<1x21x128xi32, #tpu.memory_space<hbm>> -> memref<21x128xi32, #tpu.memory_space<hbm>>
      tpu.wait_dma2 semaphore(%run_scoped3A : memref<!tpu.dma_semaphore, #tpu.memory_space<semaphore_mem>>) src(%dma_wait3A_330 : memref<21x128xi32, #tpu.memory_space<hbm>>) dst(%arg8 : memref<21x128xi32, #tpu.memory_space<vmem>>)
      tpu.yield
    }) : () -> ()
    %add3A_3 = arith.constant 0 : i32
    %add3A_4 = arith.addi %mul3A_2, %add3A_3 : i32
    "tpu.region"() ({
      %run_scoped3A = tpu.sem_alloc : memref<!tpu.dma_semaphore, #tpu.memory_space<semaphore_mem>>
      %dma_start3A_315 = arith.constant 0 : i32
      %dma_start3A_316 = tpu.memref_slice %arg2[%add3A_4, %dma_start3A_315] : memref<200000x128xf32, #tpu.memory_space<hbm>> -> memref<625x128xf32, #tpu.memory_space<hbm>>
      %dma_start3A_317 = arith.constant 0 : i32
      %dma_start3A_318 = tpu.memref_slice %arg2[%add3A_4, %dma_start3A_317] : memref<200000x128xf32, #tpu.memory_space<hbm>> -> memref<625x128xf32, #tpu.memory_space<hbm>>
      tpu.enqueue_dma source(%dma_start3A_318 : memref<625x128xf32, #tpu.memory_space<hbm>>) target(%arg6 : memref<625x128xf32, #tpu.memory_space<vmem>>) target_semaphore(%run_scoped3A : memref<!tpu.dma_semaphore, #tpu.memory_space<semaphore_mem>>)
      %dma_wait3A_319 = arith.constant 0 : i32
      %dma_wait3A_320 = tpu.memref_slice %arg2[%add3A_4, %dma_wait3A_319] : memref<200000x128xf32, #tpu.memory_space<hbm>> -> memref<625x128xf32, #tpu.memory_space<hbm>>
      %dma_wait3A_321 = arith.constant 0 : i32
      %dma_wait3A_322 = tpu.memref_slice %arg2[%add3A_4, %dma_wait3A_321] : memref<200000x128xf32, #tpu.memory_space<hbm>> -> memref<625x128xf32, #tpu.memory_space<hbm>>
      tpu.wait_dma2 semaphore(%run_scoped3A : memref<!tpu.dma_semaphore, #tpu.memory_space<semaphore_mem>>) src(%dma_wait3A_322 : memref<625x128xf32, #tpu.memory_space<hbm>>) dst(%arg6 : memref<625x128xf32, #tpu.memory_space<vmem>>)
      tpu.yield
    }) : () -> ()
    "tpu.region"() ({
      %run_scoped3A = tpu.sem_alloc : memref<!tpu.dma_semaphore, #tpu.memory_space<semaphore_mem>>
      %dma_start3A_315 = arith.constant 0 : i32
      %dma_start3A_316 = tpu.memref_slice %arg5[%add3A_4, %dma_start3A_315] : memref<200000x128xf32, #tpu.memory_space<hbm>> -> memref<625x128xf32, #tpu.memory_space<hbm>>
      %dma_start3A_317 = arith.constant 0 : i32
      %dma_start3A_318 = tpu.memref_slice %arg5[%add3A_4, %dma_start3A_317] : memref<200000x128xf32, #tpu.memory_space<hbm>> -> memref<625x128xf32, #tpu.memory_space<hbm>>
      tpu.enqueue_dma source(%arg6 : memref<625x128xf32, #tpu.memory_space<vmem>>) target(%dma_start3A_318 : memref<625x128xf32, #tpu.memory_space<hbm>>) target_semaphore(%run_scoped3A : memref<!tpu.dma_semaphore, #tpu.memory_space<semaphore_mem>>)
      %dma_wait3A_319 = arith.constant 0 : i32
      %dma_wait3A_320 = tpu.memref_slice %arg5[%add3A_4, %dma_wait3A_319] : memref<200000x128xf32, #tpu.memory_space<hbm>> -> memref<625x128xf32, #tpu.memory_space<hbm>>
      %dma_wait3A_321 = arith.constant 0 : i32
      %dma_wait3A_322 = tpu.memref_slice %arg5[%add3A_4, %dma_wait3A_321] : memref<200000x128xf32, #tpu.memory_space<hbm>> -> memref<625x128xf32, #tpu.memory_space<hbm>>
      tpu.wait_dma2 semaphore(%run_scoped3A : memref<!tpu.dma_semaphore, #tpu.memory_space<semaphore_mem>>) src(%arg6 : memref<625x128xf32, #tpu.memory_space<vmem>>) dst(%dma_wait3A_322 : memref<625x128xf32, #tpu.memory_space<hbm>>)
      tpu.yield
    }) : () -> ()
    %add3A_5 = arith.constant 625 : i32
    %add3A_6 = arith.addi %mul3A_2, %add3A_5 : i32
    "tpu.region"() ({
      %run_scoped3A = tpu.sem_alloc : memref<!tpu.dma_semaphore, #tpu.memory_space<semaphore_mem>>
      %dma_start3A_315 = arith.constant 0 : i32
      %dma_start3A_316 = tpu.memref_slice %arg2[%add3A_6, %dma_start3A_315] : memref<200000x128xf32, #tpu.memory_space<hbm>> -> memref<625x128xf32, #tpu.memory_space<hbm>>
      %dma_start3A_317 = arith.constant 0 : i32
      %dma_start3A_318 = tpu.memref_slice %arg2[%add3A_6, %dma_start3A_317] : memref<200000x128xf32, #tpu.memory_space<hbm>> -> memref<625x128xf32, #tpu.memory_space<hbm>>
      tpu.enqueue_dma source(%dma_start3A_318 : memref<625x128xf32, #tpu.memory_space<hbm>>) target(%arg6 : memref<625x128xf32, #tpu.memory_space<vmem>>) target_semaphore(%run_scoped3A : memref<!tpu.dma_semaphore, #tpu.memory_space<semaphore_mem>>)
      %dma_wait3A_319 = arith.constant 0 : i32
      %dma_wait3A_320 = tpu.memref_slice %arg2[%add3A_6, %dma_wait3A_319] : memref<200000x128xf32, #tpu.memory_space<hbm>> -> memref<625x128xf32, #tpu.memory_space<hbm>>
      %dma_wait3A_321 = arith.constant 0 : i32
      %dma_wait3A_322 = tpu.memref_slice %arg2[%add3A_6, %dma_wait3A_321] : memref<200000x128xf32, #tpu.memory_space<hbm>> -> memref<625x128xf32, #tpu.memory_space<hbm>>
      tpu.wait_dma2 semaphore(%run_scoped3A : memref<!tpu.dma_semaphore, #tpu.memory_space<semaphore_mem>>) src(%dma_wait3A_322 : memref<625x128xf32, #tpu.memory_space<hbm>>) dst(%arg6 : memref<625x128xf32, #tpu.memory_space<vmem>>)
      tpu.yield
    }) : () -> ()
    "tpu.region"() ({
      %run_scoped3A = tpu.sem_alloc : memref<!tpu.dma_semaphore, #tpu.memory_space<semaphore_mem>>
      %dma_start3A_315 = arith.constant 0 : i32
      %dma_start3A_316 = tpu.memref_slice %arg5[%add3A_6, %dma_start3A_315] : memref<200000x128xf32, #tpu.memory_space<hbm>> -> memref<625x128xf32, #tpu.memory_space<hbm>>
      %dma_start3A_317 = arith.constant 0 : i32
      %dma_start3A_318 = tpu.memref_slice %arg5[%add3A_6, %dma_start3A_317] : memref<200000x128xf32, #tpu.memory_space<hbm>> -> memref<625x128xf32, #tpu.memory_space<hbm>>
      tpu.enqueue_dma source(%arg6 : memref<625x128xf32, #tpu.memory_space<vmem>>) target(%dma_start3A_318 : memref<625x128xf32, #tpu.memory_space<hbm>>) target_semaphore(%run_scoped3A : memref<!tpu.dma_semaphore, #tpu.memory_space<semaphore_mem>>)
      %dma_wait3A_319 = arith.constant 0 : i32
      %dma_wait3A_320 = tpu.memref_slice %arg5[%add3A_6, %dma_wait3A_319] : memref<200000x128xf32, #tpu.memory_space<hbm>> -> memref<625x128xf32, #tpu.memory_space<hbm>>
      %dma_wait3A_321 = arith.constant 0 : i32
      %dma_wait3A_322 = tpu.memref_slice %arg5[%add3A_6, %dma_wait3A_321] : memref<200000x128xf32, #tpu.memory_space<hbm>> -> memref<625x128xf32, #tpu.memory_space<hbm>>
      tpu.wait_dma2 semaphore(%run_scoped3A : memref<!tpu.dma_semaphore, #tpu.memory_space<semaphore_mem>>) src(%arg6 : memref<625x128xf32, #tpu.memory_space<vmem>>) dst(%dma_wait3A_322 : memref<625x128xf32, #tpu.memory_space<hbm>>)
      tpu.yield
    }) : () -> ()
    %add3A_7 = arith.constant 1250 : i32
    %add3A_8 = arith.addi %mul3A_2, %add3A_7 : i32
    "tpu.region"() ({
      %run_scoped3A = tpu.sem_alloc : memref<!tpu.dma_semaphore, #tpu.memory_space<semaphore_mem>>
      %dma_start3A_315 = arith.constant 0 : i32
      %dma_start3A_316 = tpu.memref_slice %arg2[%add3A_8, %dma_start3A_315] : memref<200000x128xf32, #tpu.memory_space<hbm>> -> memref<625x128xf32, #tpu.memory_space<hbm>>
      %dma_start3A_317 = arith.constant 0 : i32
      %dma_start3A_318 = tpu.memref_slice %arg2[%add3A_8, %dma_start3A_317] : memref<200000x128xf32, #tpu.memory_space<hbm>> -> memref<625x128xf32, #tpu.memory_space<hbm>>
      tpu.enqueue_dma source(%dma_start3A_318 : memref<625x128xf32, #tpu.memory_space<hbm>>) target(%arg6 : memref<625x128xf32, #tpu.memory_space<vmem>>) target_semaphore(%run_scoped3A : memref<!tpu.dma_semaphore, #tpu.memory_space<semaphore_mem>>)
      %dma_wait3A_319 = arith.constant 0 : i32
      %dma_wait3A_320 = tpu.memref_slice %arg2[%add3A_8, %dma_wait3A_319] : memref<200000x128xf32, #tpu.memory_space<hbm>> -> memref<625x128xf32, #tpu.memory_space<hbm>>
      %dma_wait3A_321 = arith.constant 0 : i32
      %dma_wait3A_322 = tpu.memref_slice %arg2[%add3A_8, %dma_wait3A_321] : memref<200000x128xf32, #tpu.memory_space<hbm>> -> memref<625x128xf32, #tpu.memory_space<hbm>>
      tpu.wait_dma2 semaphore(%run_scoped3A : memref<!tpu.dma_semaphore, #tpu.memory_space<semaphore_mem>>) src(%dma_wait3A_322 : memref<625x128xf32, #tpu.memory_space<hbm>>) dst(%arg6 : memref<625x128xf32, #tpu.memory_space<vmem>>)
      tpu.yield
    }) : () -> ()
    "tpu.region"() ({
      %run_scoped3A = tpu.sem_alloc : memref<!tpu.dma_semaphore, #tpu.memory_space<semaphore_mem>>
      %dma_start3A_315 = arith.constant 0 : i32
      %dma_start3A_316 = tpu.memref_slice %arg5[%add3A_8, %dma_start3A_315] : memref<200000x128xf32, #tpu.memory_space<hbm>> -> memref<625x128xf32, #tpu.memory_space<hbm>>
      %dma_start3A_317 = arith.constant 0 : i32
      %dma_start3A_318 = tpu.memref_slice %arg5[%add3A_8, %dma_start3A_317] : memref<200000x128xf32, #tpu.memory_space<hbm>> -> memref<625x128xf32, #tpu.memory_space<hbm>>
      tpu.enqueue_dma source(%arg6 : memref<625x128xf32, #tpu.memory_space<vmem>>) target(%dma_start3A_318 : memref<625x128xf32, #tpu.memory_space<hbm>>) target_semaphore(%run_scoped3A : memref<!tpu.dma_semaphore, #tpu.memory_space<semaphore_mem>>)
      %dma_wait3A_319 = arith.constant 0 : i32
      %dma_wait3A_320 = tpu.memref_slice %arg5[%add3A_8, %dma_wait3A_319] : memref<200000x128xf32, #tpu.memory_space<hbm>> -> memref<625x128xf32, #tpu.memory_space<hbm>>
      %dma_wait3A_321 = arith.constant 0 : i32
      %dma_wait3A_322 = tpu.memref_slice %arg5[%add3A_8, %dma_wait3A_321] : memref<200000x128xf32, #tpu.memory_space<hbm>> -> memref<625x128xf32, #tpu.memory_space<hbm>>
      tpu.wait_dma2 semaphore(%run_scoped3A : memref<!tpu.dma_semaphore, #tpu.memory_space<semaphore_mem>>) src(%arg6 : memref<625x128xf32, #tpu.memory_space<vmem>>) dst(%dma_wait3A_322 : memref<625x128xf32, #tpu.memory_space<hbm>>)
      tpu.yield
    }) : () -> ()
    %add3A_9 = arith.constant 1875 : i32
    %add3A_10 = arith.addi %mul3A_2, %add3A_9 : i32
    "tpu.region"() ({
      %run_scoped3A = tpu.sem_alloc : memref<!tpu.dma_semaphore, #tpu.memory_space<semaphore_mem>>
      %dma_start3A_315 = arith.constant 0 : i32
      %dma_start3A_316 = tpu.memref_slice %arg2[%add3A_10, %dma_start3A_315] : memref<200000x128xf32, #tpu.memory_space<hbm>> -> memref<625x128xf32, #tpu.memory_space<hbm>>
      %dma_start3A_317 = arith.constant 0 : i32
      %dma_start3A_318 = tpu.memref_slice %arg2[%add3A_10, %dma_start3A_317] : memref<200000x128xf32, #tpu.memory_space<hbm>> -> memref<625x128xf32, #tpu.memory_space<hbm>>
      tpu.enqueue_dma source(%dma_start3A_318 : memref<625x128xf32, #tpu.memory_space<hbm>>) target(%arg6 : memref<625x128xf32, #tpu.memory_space<vmem>>) target_semaphore(%run_scoped3A : memref<!tpu.dma_semaphore, #tpu.memory_space<semaphore_mem>>)
      %dma_wait3A_319 = arith.constant 0 : i32
      %dma_wait3A_320 = tpu.memref_slice %arg2[%add3A_10, %dma_wait3A_319] : memref<200000x128xf32, #tpu.memory_space<hbm>> -> memref<625x128xf32, #tpu.memory_space<hbm>>
      %dma_wait3A_321 = arith.constant 0 : i32
      %dma_wait3A_322 = tpu.memref_slice %arg2[%add3A_10, %dma_wait3A_321] : memref<200000x128xf32, #tpu.memory_space<hbm>> -> memref<625x128xf32, #tpu.memory_space<hbm>>
      tpu.wait_dma2 semaphore(%run_scoped3A : memref<!tpu.dma_semaphore, #tpu.memory_space<semaphore_mem>>) src(%dma_wait3A_322 : memref<625x128xf32, #tpu.memory_space<hbm>>) dst(%arg6 : memref<625x128xf32, #tpu.memory_space<vmem>>)
      tpu.yield
    }) : () -> ()
    "tpu.region"() ({
      %run_scoped3A = tpu.sem_alloc : memref<!tpu.dma_semaphore, #tpu.memory_space<semaphore_mem>>
      %dma_start3A_315 = arith.constant 0 : i32
      %dma_start3A_316 = tpu.memref_slice %arg5[%add3A_10, %dma_start3A_315] : memref<200000x128xf32, #tpu.memory_space<hbm>> -> memref<625x128xf32, #tpu.memory_space<hbm>>
      %dma_start3A_317 = arith.constant 0 : i32
      %dma_start3A_318 = tpu.memref_slice %arg5[%add3A_10, %dma_start3A_317] : memref<200000x128xf32, #tpu.memory_space<hbm>> -> memref<625x128xf32, #tpu.memory_space<hbm>>
      tpu.enqueue_dma source(%arg6 : memref<625x128xf32, #tpu.memory_space<vmem>>) target(%dma_start3A_318 : memref<625x128xf32, #tpu.memory_space<hbm>>) target_semaphore(%run_scoped3A : memref<!tpu.dma_semaphore, #tpu.memory_space<semaphore_mem>>)
      %dma_wait3A_319 = arith.constant 0 : i32
      %dma_wait3A_320 = tpu.memref_slice %arg5[%add3A_10, %dma_wait3A_319] : memref<200000x128xf32, #tpu.memory_space<hbm>> -> memref<625x128xf32, #tpu.memory_space<hbm>>
      %dma_wait3A_321 = arith.constant 0 : i32
      %dma_wait3A_322 = tpu.memref_slice %arg5[%add3A_10, %dma_wait3A_321] : memref<200000x128xf32, #tpu.memory_space<hbm>> -> memref<625x128xf32, #tpu.memory_space<hbm>>
      tpu.wait_dma2 semaphore(%run_scoped3A : memref<!tpu.dma_semaphore, #tpu.memory_space<semaphore_mem>>) src(%arg6 : memref<625x128xf32, #tpu.memory_space<vmem>>) dst(%dma_wait3A_322 : memref<625x128xf32, #tpu.memory_space<hbm>>)
      tpu.yield
    }) : () -> ()
    %add3A_11 = arith.constant 2500 : i32
    %add3A_12 = arith.addi %mul3A_2, %add3A_11 : i32
    "tpu.region"() ({
      %run_scoped3A = tpu.sem_alloc : memref<!tpu.dma_semaphore, #tpu.memory_space<semaphore_mem>>
      %dma_start3A_315 = arith.constant 0 : i32
      %dma_start3A_316 = tpu.memref_slice %arg2[%add3A_12, %dma_start3A_315] : memref<200000x128xf32, #tpu.memory_space<hbm>> -> memref<625x128xf32, #tpu.memory_space<hbm>>
      %dma_start3A_317 = arith.constant 0 : i32
      %dma_start3A_318 = tpu.memref_slice %arg2[%add3A_12, %dma_start3A_317] : memref<200000x128xf32, #tpu.memory_space<hbm>> -> memref<625x128xf32, #tpu.memory_space<hbm>>
      tpu.enqueue_dma source(%dma_start3A_318 : memref<625x128xf32, #tpu.memory_space<hbm>>) target(%arg6 : memref<625x128xf32, #tpu.memory_space<vmem>>) target_semaphore(%run_scoped3A : memref<!tpu.dma_semaphore, #tpu.memory_space<semaphore_mem>>)
      %dma_wait3A_319 = arith.constant 0 : i32
      %dma_wait3A_320 = tpu.memref_slice %arg2[%add3A_12, %dma_wait3A_319] : memref<200000x128xf32, #tpu.memory_space<hbm>> -> memref<625x128xf32, #tpu.memory_space<hbm>>
      %dma_wait3A_321 = arith.constant 0 : i32
      %dma_wait3A_322 = tpu.memref_slice %arg2[%add3A_12, %dma_wait3A_321] : memref<200000x128xf32, #tpu.memory_space<hbm>> -> memref<625x128xf32, #tpu.memory_space<hbm>>
      tpu.wait_dma2 semaphore(%run_scoped3A : memref<!tpu.dma_semaphore, #tpu.memory_space<semaphore_mem>>) src(%dma_wait3A_322 : memref<625x128xf32, #tpu.memory_space<hbm>>) dst(%arg6 : memref<625x128xf32, #tpu.memory_space<vmem>>)
      tpu.yield
    }) : () -> ()
    "tpu.region"() ({
      %run_scoped3A = tpu.sem_alloc : memref<!tpu.dma_semaphore, #tpu.memory_space<semaphore_mem>>
      %dma_start3A_315 = arith.constant 0 : i32
      %dma_start3A_316 = tpu.memref_slice %arg5[%add3A_12, %dma_start3A_315] : memref<200000x128xf32, #tpu.memory_space<hbm>> -> memref<625x128xf32, #tpu.memory_space<hbm>>
      %dma_start3A_317 = arith.constant 0 : i32
      %dma_start3A_318 = tpu.memref_slice %arg5[%add3A_12, %dma_start3A_317] : memref<200000x128xf32, #tpu.memory_space<hbm>> -> memref<625x128xf32, #tpu.memory_space<hbm>>
      tpu.enqueue_dma source(%arg6 : memref<625x128xf32, #tpu.memory_space<vmem>>) target(%dma_start3A_318 : memref<625x128xf32, #tpu.memory_space<hbm>>) target_semaphore(%run_scoped3A : memref<!tpu.dma_semaphore, #tpu.memory_space<semaphore_mem>>)
      %dma_wait3A_319 = arith.constant 0 : i32
      %dma_wait3A_320 = tpu.memref_slice %arg5[%add3A_12, %dma_wait3A_319] : memref<200000x128xf32, #tpu.memory_space<hbm>> -> memref<625x128xf32, #tpu.memory_space<hbm>>
      %dma_wait3A_321 = arith.constant 0 : i32
      %dma_wait3A_322 = tpu.memref_slice %arg5[%add3A_12, %dma_wait3A_321] : memref<200000x128xf32, #tpu.memory_space<hbm>> -> memref<625x128xf32, #tpu.memory_space<hbm>>
      tpu.wait_dma2 semaphore(%run_scoped3A : memref<!tpu.dma_semaphore, #tpu.memory_space<semaphore_mem>>) src(%arg6 : memref<625x128xf32, #tpu.memory_space<vmem>>) dst(%dma_wait3A_322 : memref<625x128xf32, #tpu.memory_space<hbm>>)
      tpu.yield
    }) : () -> ()
    %add3A_13 = arith.constant 3125 : i32
    %add3A_14 = arith.addi %mul3A_2, %add3A_13 : i32
    "tpu.region"() ({
      %run_scoped3A = tpu.sem_alloc : memref<!tpu.dma_semaphore, #tpu.memory_space<semaphore_mem>>
      %dma_start3A_315 = arith.constant 0 : i32
      %dma_start3A_316 = tpu.memref_slice %arg2[%add3A_14, %dma_start3A_315] : memref<200000x128xf32, #tpu.memory_space<hbm>> -> memref<625x128xf32, #tpu.memory_space<hbm>>
      %dma_start3A_317 = arith.constant 0 : i32
      %dma_start3A_318 = tpu.memref_slice %arg2[%add3A_14, %dma_start3A_317] : memref<200000x128xf32, #tpu.memory_space<hbm>> -> memref<625x128xf32, #tpu.memory_space<hbm>>
      tpu.enqueue_dma source(%dma_start3A_318 : memref<625x128xf32, #tpu.memory_space<hbm>>) target(%arg6 : memref<625x128xf32, #tpu.memory_space<vmem>>) target_semaphore(%run_scoped3A : memref<!tpu.dma_semaphore, #tpu.memory_space<semaphore_mem>>)
      %dma_wait3A_319 = arith.constant 0 : i32
      %dma_wait3A_320 = tpu.memref_slice %arg2[%add3A_14, %dma_wait3A_319] : memref<200000x128xf32, #tpu.memory_space<hbm>> -> memref<625x128xf32, #tpu.memory_space<hbm>>
      %dma_wait3A_321 = arith.constant 0 : i32
      %dma_wait3A_322 = tpu.memref_slice %arg2[%add3A_14, %dma_wait3A_321] : memref<200000x128xf32, #tpu.memory_space<hbm>> -> memref<625x128xf32, #tpu.memory_space<hbm>>
      tpu.wait_dma2 semaphore(%run_scoped3A : memref<!tpu.dma_semaphore, #tpu.memory_space<semaphore_mem>>) src(%dma_wait3A_322 : memref<625x128xf32, #tpu.memory_space<hbm>>) dst(%arg6 : memref<625x128xf32, #tpu.memory_space<vmem>>)
      tpu.yield
    }) : () -> ()
    "tpu.region"() ({
      %run_scoped3A = tpu.sem_alloc : memref<!tpu.dma_semaphore, #tpu.memory_space<semaphore_mem>>
      %dma_start3A_315 = arith.constant 0 : i32
      %dma_start3A_316 = tpu.memref_slice %arg5[%add3A_14, %dma_start3A_315] : memref<200000x128xf32, #tpu.memory_space<hbm>> -> memref<625x128xf32, #tpu.memory_space<hbm>>
      %dma_start3A_317 = arith.constant 0 : i32
      %dma_start3A_318 = tpu.memref_slice %arg5[%add3A_14, %dma_start3A_317] : memref<200000x128xf32, #tpu.memory_space<hbm>> -> memref<625x128xf32, #tpu.memory_space<hbm>>
      tpu.enqueue_dma source(%arg6 : memref<625x128xf32, #tpu.memory_space<vmem>>) target(%dma_start3A_318 : memref<625x128xf32, #tpu.memory_space<hbm>>) target_semaphore(%run_scoped3A : memref<!tpu.dma_semaphore, #tpu.memory_space<semaphore_mem>>)
      %dma_wait3A_319 = arith.constant 0 : i32
      %dma_wait3A_320 = tpu.memref_slice %arg5[%add3A_14, %dma_wait3A_319] : memref<200000x128xf32, #tpu.memory_space<hbm>> -> memref<625x128xf32, #tpu.memory_space<hbm>>
      %dma_wait3A_321 = arith.constant 0 : i32
      %dma_wait3A_322 = tpu.memref_slice %arg5[%add3A_14, %dma_wait3A_321] : memref<200000x128xf32, #tpu.memory_space<hbm>> -> memref<625x128xf32, #tpu.memory_space<hbm>>
      tpu.wait_dma2 semaphore(%run_scoped3A : memref<!tpu.dma_semaphore, #tpu.memory_space<semaphore_mem>>) src(%arg6 : memref<625x128xf32, #tpu.memory_space<vmem>>) dst(%dma_wait3A_322 : memref<625x128xf32, #tpu.memory_space<hbm>>)
      tpu.yield
    }) : () -> ()
    %add3A_15 = arith.constant 3750 : i32
    %add3A_16 = arith.addi %mul3A_2, %add3A_15 : i32
    "tpu.region"() ({
      %run_scoped3A = tpu.sem_alloc : memref<!tpu.dma_semaphore, #tpu.memory_space<semaphore_mem>>
      %dma_start3A_315 = arith.constant 0 : i32
      %dma_start3A_316 = tpu.memref_slice %arg2[%add3A_16, %dma_start3A_315] : memref<200000x128xf32, #tpu.memory_space<hbm>> -> memref<625x128xf32, #tpu.memory_space<hbm>>
      %dma_start3A_317 = arith.constant 0 : i32
      %dma_start3A_318 = tpu.memref_slice %arg2[%add3A_16, %dma_start3A_317] : memref<200000x128xf32, #tpu.memory_space<hbm>> -> memref<625x128xf32, #tpu.memory_space<hbm>>
      tpu.enqueue_dma source(%dma_start3A_318 : memref<625x128xf32, #tpu.memory_space<hbm>>) target(%arg6 : memref<625x128xf32, #tpu.memory_space<vmem>>) target_semaphore(%run_scoped3A : memref<!tpu.dma_semaphore, #tpu.memory_space<semaphore_mem>>)
      %dma_wait3A_319 = arith.constant 0 : i32
      %dma_wait3A_320 = tpu.memref_slice %arg2[%add3A_16, %dma_wait3A_319] : memref<200000x128xf32, #tpu.memory_space<hbm>> -> memref<625x128xf32, #tpu.memory_space<hbm>>
      %dma_wait3A_321 = arith.constant 0 : i32
      %dma_wait3A_322 = tpu.memref_slice %arg2[%add3A_16, %dma_wait3A_321] : memref<200000x128xf32, #tpu.memory_space<hbm>> -> memref<625x128xf32, #tpu.memory_space<hbm>>
      tpu.wait_dma2 semaphore(%run_scoped3A : memref<!tpu.dma_semaphore, #tpu.memory_space<semaphore_mem>>) src(%dma_wait3A_322 : memref<625x128xf32, #tpu.memory_space<hbm>>) dst(%arg6 : memref<625x128xf32, #tpu.memory_space<vmem>>)
      tpu.yield
    }) : () -> ()
    "tpu.region"() ({
      %run_scoped3A = tpu.sem_alloc : memref<!tpu.dma_semaphore, #tpu.memory_space<semaphore_mem>>
      %dma_start3A_315 = arith.constant 0 : i32
      %dma_start3A_316 = tpu.memref_slice %arg5[%add3A_16, %dma_start3A_315] : memref<200000x128xf32, #tpu.memory_space<hbm>> -> memref<625x128xf32, #tpu.memory_space<hbm>>
      %dma_start3A_317 = arith.constant 0 : i32
      %dma_start3A_318 = tpu.memref_slice %arg5[%add3A_16, %dma_start3A_317] : memref<200000x128xf32, #tpu.memory_space<hbm>> -> memref<625x128xf32, #tpu.memory_space<hbm>>
      tpu.enqueue_dma source(%arg6 : memref<625x128xf32, #tpu.memory_space<vmem>>) target(%dma_start3A_318 : memref<625x128xf32, #tpu.memory_space<hbm>>) target_semaphore(%run_scoped3A : memref<!tpu.dma_semaphore, #tpu.memory_space<semaphore_mem>>)
      %dma_wait3A_319 = arith.constant 0 : i32
      %dma_wait3A_320 = tpu.memref_slice %arg5[%add3A_16, %dma_wait3A_319] : memref<200000x128xf32, #tpu.memory_space<hbm>> -> memref<625x128xf32, #tpu.memory_space<hbm>>
      %dma_wait3A_321 = arith.constant 0 : i32
      %dma_wait3A_322 = tpu.memref_slice %arg5[%add3A_16, %dma_wait3A_321] : memref<200000x128xf32, #tpu.memory_space<hbm>> -> memref<625x128xf32, #tpu.memory_space<hbm>>
      tpu.wait_dma2 semaphore(%run_scoped3A : memref<!tpu.dma_semaphore, #tpu.memory_space<semaphore_mem>>) src(%arg6 : memref<625x128xf32, #tpu.memory_space<vmem>>) dst(%dma_wait3A_322 : memref<625x128xf32, #tpu.memory_space<hbm>>)
      tpu.yield
    }) : () -> ()
    %add3A_17 = arith.constant 4375 : i32
    %add3A_18 = arith.addi %mul3A_2, %add3A_17 : i32
    "tpu.region"() ({
      %run_scoped3A = tpu.sem_alloc : memref<!tpu.dma_semaphore, #tpu.memory_space<semaphore_mem>>
      %dma_start3A_315 = arith.constant 0 : i32
      %dma_start3A_316 = tpu.memref_slice %arg2[%add3A_18, %dma_start3A_315] : memref<200000x128xf32, #tpu.memory_space<hbm>> -> memref<625x128xf32, #tpu.memory_space<hbm>>
      %dma_start3A_317 = arith.constant 0 : i32
      %dma_start3A_318 = tpu.memref_slice %arg2[%add3A_18, %dma_start3A_317] : memref<200000x128xf32, #tpu.memory_space<hbm>> -> memref<625x128xf32, #tpu.memory_space<hbm>>
      tpu.enqueue_dma source(%dma_start3A_318 : memref<625x128xf32, #tpu.memory_space<hbm>>) target(%arg6 : memref<625x128xf32, #tpu.memory_space<vmem>>) target_semaphore(%run_scoped3A : memref<!tpu.dma_semaphore, #tpu.memory_space<semaphore_mem>>)
      %dma_wait3A_319 = arith.constant 0 : i32
      %dma_wait3A_320 = tpu.memref_slice %arg2[%add3A_18, %dma_wait3A_319] : memref<200000x128xf32, #tpu.memory_space<hbm>> -> memref<625x128xf32, #tpu.memory_space<hbm>>
      %dma_wait3A_321 = arith.constant 0 : i32
      %dma_wait3A_322 = tpu.memref_slice %arg2[%add3A_18, %dma_wait3A_321] : memref<200000x128xf32, #tpu.memory_space<hbm>> -> memref<625x128xf32, #tpu.memory_space<hbm>>
      tpu.wait_dma2 semaphore(%run_scoped3A : memref<!tpu.dma_semaphore, #tpu.memory_space<semaphore_mem>>) src(%dma_wait3A_322 : memref<625x128xf32, #tpu.memory_space<hbm>>) dst(%arg6 : memref<625x128xf32, #tpu.memory_space<vmem>>)
      tpu.yield
    }) : () -> ()
    "tpu.region"() ({
      %run_scoped3A = tpu.sem_alloc : memref<!tpu.dma_semaphore, #tpu.memory_space<semaphore_mem>>
      %dma_start3A_315 = arith.constant 0 : i32
      %dma_start3A_316 = tpu.memref_slice %arg5[%add3A_18, %dma_start3A_315] : memref<200000x128xf32, #tpu.memory_space<hbm>> -> memref<625x128xf32, #tpu.memory_space<hbm>>
      %dma_start3A_317 = arith.constant 0 : i32
      %dma_start3A_318 = tpu.memref_slice %arg5[%add3A_18, %dma_start3A_317] : memref<200000x128xf32, #tpu.memory_space<hbm>> -> memref<625x128xf32, #tpu.memory_space<hbm>>
      tpu.enqueue_dma source(%arg6 : memref<625x128xf32, #tpu.memory_space<vmem>>) target(%dma_start3A_318 : memref<625x128xf32, #tpu.memory_space<hbm>>) target_semaphore(%run_scoped3A : memref<!tpu.dma_semaphore, #tpu.memory_space<semaphore_mem>>)
      %dma_wait3A_319 = arith.constant 0 : i32
      %dma_wait3A_320 = tpu.memref_slice %arg5[%add3A_18, %dma_wait3A_319] : memref<200000x128xf32, #tpu.memory_space<hbm>> -> memref<625x128xf32, #tpu.memory_space<hbm>>
      %dma_wait3A_321 = arith.constant 0 : i32
      %dma_wait3A_322 = tpu.memref_slice %arg5[%add3A_18, %dma_wait3A_321] : memref<200000x128xf32, #tpu.memory_space<hbm>> -> memref<625x128xf32, #tpu.memory_space<hbm>>
      tpu.wait_dma2 semaphore(%run_scoped3A : memref<!tpu.dma_semaphore, #tpu.memory_space<semaphore_mem>>) src(%arg6 : memref<625x128xf32, #tpu.memory_space<vmem>>) dst(%dma_wait3A_322 : memref<625x128xf32, #tpu.memory_space<hbm>>)
      tpu.yield
    }) : () -> ()
    %add3A_19 = arith.constant 5000 : i32
    %add3A_20 = arith.addi %mul3A_2, %add3A_19 : i32
    "tpu.region"() ({
      %run_scoped3A = tpu.sem_alloc : memref<!tpu.dma_semaphore, #tpu.memory_space<semaphore_mem>>
      %dma_start3A_315 = arith.constant 0 : i32
      %dma_start3A_316 = tpu.memref_slice %arg2[%add3A_20, %dma_start3A_315] : memref<200000x128xf32, #tpu.memory_space<hbm>> -> memref<625x128xf32, #tpu.memory_space<hbm>>
      %dma_start3A_317 = arith.constant 0 : i32
      %dma_start3A_318 = tpu.memref_slice %arg2[%add3A_20, %dma_start3A_317] : memref<200000x128xf32, #tpu.memory_space<hbm>> -> memref<625x128xf32, #tpu.memory_space<hbm>>
      tpu.enqueue_dma source(%dma_start3A_318 : memref<625x128xf32, #tpu.memory_space<hbm>>) target(%arg6 : memref<625x128xf32, #tpu.memory_space<vmem>>) target_semaphore(%run_scoped3A : memref<!tpu.dma_semaphore, #tpu.memory_space<semaphore_mem>>)
      %dma_wait3A_319 = arith.constant 0 : i32
      %dma_wait3A_320 = tpu.memref_slice %arg2[%add3A_20, %dma_wait3A_319] : memref<200000x128xf32, #tpu.memory_space<hbm>> -> memref<625x128xf32, #tpu.memory_space<hbm>>
      %dma_wait3A_321 = arith.constant 0 : i32
      %dma_wait3A_322 = tpu.memref_slice %arg2[%add3A_20, %dma_wait3A_321] : memref<200000x128xf32, #tpu.memory_space<hbm>> -> memref<625x128xf32, #tpu.memory_space<hbm>>
      tpu.wait_dma2 semaphore(%run_scoped3A : memref<!tpu.dma_semaphore, #tpu.memory_space<semaphore_mem>>) src(%dma_wait3A_322 : memref<625x128xf32, #tpu.memory_space<hbm>>) dst(%arg6 : memref<625x128xf32, #tpu.memory_space<vmem>>)
      tpu.yield
    }) : () -> ()
    "tpu.region"() ({
      %run_scoped3A = tpu.sem_alloc : memref<!tpu.dma_semaphore, #tpu.memory_space<semaphore_mem>>
      %dma_start3A_315 = arith.constant 0 : i32
      %dma_start3A_316 = tpu.memref_slice %arg5[%add3A_20, %dma_start3A_315] : memref<200000x128xf32, #tpu.memory_space<hbm>> -> memref<625x128xf32, #tpu.memory_space<hbm>>
      %dma_start3A_317 = arith.constant 0 : i32
      %dma_start3A_318 = tpu.memref_slice %arg5[%add3A_20, %dma_start3A_317] : memref<200000x128xf32, #tpu.memory_space<hbm>> -> memref<625x128xf32, #tpu.memory_space<hbm>>
      tpu.enqueue_dma source(%arg6 : memref<625x128xf32, #tpu.memory_space<vmem>>) target(%dma_start3A_318 : memref<625x128xf32, #tpu.memory_space<hbm>>) target_semaphore(%run_scoped3A : memref<!tpu.dma_semaphore, #tpu.memory_space<semaphore_mem>>)
      %dma_wait3A_319 = arith.constant 0 : i32
      %dma_wait3A_320 = tpu.memref_slice %arg5[%add3A_20, %dma_wait3A_319] : memref<200000x128xf32, #tpu.memory_space<hbm>> -> memref<625x128xf32, #tpu.memory_space<hbm>>
      %dma_wait3A_321 = arith.constant 0 : i32
      %dma_wait3A_322 = tpu.memref_slice %arg5[%add3A_20, %dma_wait3A_321] : memref<200000x128xf32, #tpu.memory_space<hbm>> -> memref<625x128xf32, #tpu.memory_space<hbm>>
      tpu.wait_dma2 semaphore(%run_scoped3A : memref<!tpu.dma_semaphore, #tpu.memory_space<semaphore_mem>>) src(%arg6 : memref<625x128xf32, #tpu.memory_space<vmem>>) dst(%dma_wait3A_322 : memref<625x128xf32, #tpu.memory_space<hbm>>)
      tpu.yield
    }) : () -> ()
    %add3A_21 = arith.constant 5625 : i32
    %add3A_22 = arith.addi %mul3A_2, %add3A_21 : i32
    "tpu.region"() ({
      %run_scoped3A = tpu.sem_alloc : memref<!tpu.dma_semaphore, #tpu.memory_space<semaphore_mem>>
      %dma_start3A_315 = arith.constant 0 : i32
      %dma_start3A_316 = tpu.memref_slice %arg2[%add3A_22, %dma_start3A_315] : memref<200000x128xf32, #tpu.memory_space<hbm>> -> memref<625x128xf32, #tpu.memory_space<hbm>>
      %dma_start3A_317 = arith.constant 0 : i32
      %dma_start3A_318 = tpu.memref_slice %arg2[%add3A_22, %dma_start3A_317] : memref<200000x128xf32, #tpu.memory_space<hbm>> -> memref<625x128xf32, #tpu.memory_space<hbm>>
      tpu.enqueue_dma source(%dma_start3A_318 : memref<625x128xf32, #tpu.memory_space<hbm>>) target(%arg6 : memref<625x128xf32, #tpu.memory_space<vmem>>) target_semaphore(%run_scoped3A : memref<!tpu.dma_semaphore, #tpu.memory_space<semaphore_mem>>)
      %dma_wait3A_319 = arith.constant 0 : i32
      %dma_wait3A_320 = tpu.memref_slice %arg2[%add3A_22, %dma_wait3A_319] : memref<200000x128xf32, #tpu.memory_space<hbm>> -> memref<625x128xf32, #tpu.memory_space<hbm>>
      %dma_wait3A_321 = arith.constant 0 : i32
      %dma_wait3A_322 = tpu.memref_slice %arg2[%add3A_22, %dma_wait3A_321] : memref<200000x128xf32, #tpu.memory_space<hbm>> -> memref<625x128xf32, #tpu.memory_space<hbm>>
      tpu.wait_dma2 semaphore(%run_scoped3A : memref<!tpu.dma_semaphore, #tpu.memory_space<semaphore_mem>>) src(%dma_wait3A_322 : memref<625x128xf32, #tpu.memory_space<hbm>>) dst(%arg6 : memref<625x128xf32, #tpu.memory_space<vmem>>)
      tpu.yield
    }) : () -> ()
    "tpu.region"() ({
      %run_scoped3A = tpu.sem_alloc : memref<!tpu.dma_semaphore, #tpu.memory_space<semaphore_mem>>
      %dma_start3A_315 = arith.constant 0 : i32
      %dma_start3A_316 = tpu.memref_slice %arg5[%add3A_22, %dma_start3A_315] : memref<200000x128xf32, #tpu.memory_space<hbm>> -> memref<625x128xf32, #tpu.memory_space<hbm>>
      %dma_start3A_317 = arith.constant 0 : i32
      %dma_start3A_318 = tpu.memref_slice %arg5[%add3A_22, %dma_start3A_317] : memref<200000x128xf32, #tpu.memory_space<hbm>> -> memref<625x128xf32, #tpu.memory_space<hbm>>
      tpu.enqueue_dma source(%arg6 : memref<625x128xf32, #tpu.memory_space<vmem>>) target(%dma_start3A_318 : memref<625x128xf32, #tpu.memory_space<hbm>>) target_semaphore(%run_scoped3A : memref<!tpu.dma_semaphore, #tpu.memory_space<semaphore_mem>>)
      %dma_wait3A_319 = arith.constant 0 : i32
      %dma_wait3A_320 = tpu.memref_slice %arg5[%add3A_22, %dma_wait3A_319] : memref<200000x128xf32, #tpu.memory_space<hbm>> -> memref<625x128xf32, #tpu.memory_space<hbm>>
      %dma_wait3A_321 = arith.constant 0 : i32
      %dma_wait3A_322 = tpu.memref_slice %arg5[%add3A_22, %dma_wait3A_321] : memref<200000x128xf32, #tpu.memory_space<hbm>> -> memref<625x128xf32, #tpu.memory_space<hbm>>
      tpu.wait_dma2 semaphore(%run_scoped3A : memref<!tpu.dma_semaphore, #tpu.memory_space<semaphore_mem>>) src(%arg6 : memref<625x128xf32, #tpu.memory_space<vmem>>) dst(%dma_wait3A_322 : memref<625x128xf32, #tpu.memory_space<hbm>>)
      tpu.yield
    }) : () -> ()
    %dma_start3A = arith.constant 0 : i32
    %dma_start3A_23 = arith.constant 0 : i32
    %dma_start3A_24 = tpu.memref_slice %arg8[%dma_start3A, %dma_start3A_23] : memref<21x128xi32, #tpu.memory_space<vmem>> -> memref<1x128xi32, #tpu.memory_space<vmem>>
    %dma_start3A_25 = tpu.memref_squeeze %dma_start3A_24 : memref<1x128xi32, #tpu.memory_space<vmem>> -> memref<128xi32, #tpu.memory_space<vmem>>
    %dma_start3A_26 = arith.constant 0 : i32
    %dma_start3A_27 = arith.constant 0 : i32
    %dma_start3A_28 = tpu.memref_slice %arg5[%dma_start3A_26, %dma_start3A_27] : memref<200000x128xf32, #tpu.memory_space<hbm>> -> memref<200000x128xf32, #tpu.memory_space<hbm>>
    tpu.enqueue_indirect_dma source(%arg7 : memref<128x128xf32, #tpu.memory_space<vmem>>) target(%dma_start3A_28 : memref<200000x128xf32, #tpu.memory_space<hbm>>) offsets(%dma_start3A_25 : memref<128xi32, #tpu.memory_space<vmem>>) semaphore(%arg9 : memref<!tpu.dma_semaphore, #tpu.memory_space<semaphore_mem>>)
    %dma_start3A_29 = arith.constant 1 : i32
    %dma_start3A_30 = arith.constant 0 : i32
    %dma_start3A_31 = tpu.memref_slice %arg8[%dma_start3A_29, %dma_start3A_30] : memref<21x128xi32, #tpu.memory_space<vmem>> -> memref<1x128xi32, #tpu.memory_space<vmem>>
    %dma_start3A_32 = tpu.memref_squeeze %dma_start3A_31 : memref<1x128xi32, #tpu.memory_space<vmem>> -> memref<128xi32, #tpu.memory_space<vmem>>
    %dma_start3A_33 = arith.constant 0 : i32
    %dma_start3A_34 = arith.constant 0 : i32
    %dma_start3A_35 = tpu.memref_slice %arg5[%dma_start3A_33, %dma_start3A_34] : memref<200000x128xf32, #tpu.memory_space<hbm>> -> memref<200000x128xf32, #tpu.memory_space<hbm>>
    tpu.enqueue_indirect_dma source(%arg7 : memref<128x128xf32, #tpu.memory_space<vmem>>) target(%dma_start3A_35 : memref<200000x128xf32, #tpu.memory_space<hbm>>) offsets(%dma_start3A_32 : memref<128xi32, #tpu.memory_space<vmem>>) semaphore(%arg9 : memref<!tpu.dma_semaphore, #tpu.memory_space<semaphore_mem>>)
    %dma_start3A_36 = arith.constant 2 : i32
    %dma_start3A_37 = arith.constant 0 : i32
    %dma_start3A_38 = tpu.memref_slice %arg8[%dma_start3A_36, %dma_start3A_37] : memref<21x128xi32, #tpu.memory_space<vmem>> -> memref<1x128xi32, #tpu.memory_space<vmem>>
    %dma_start3A_39 = tpu.memref_squeeze %dma_start3A_38 : memref<1x128xi32, #tpu.memory_space<vmem>> -> memref<128xi32, #tpu.memory_space<vmem>>
    %dma_start3A_40 = arith.constant 0 : i32
    %dma_start3A_41 = arith.constant 0 : i32
    %dma_start3A_42 = tpu.memref_slice %arg5[%dma_start3A_40, %dma_start3A_41] : memref<200000x128xf32, #tpu.memory_space<hbm>> -> memref<200000x128xf32, #tpu.memory_space<hbm>>
    tpu.enqueue_indirect_dma source(%arg7 : memref<128x128xf32, #tpu.memory_space<vmem>>) target(%dma_start3A_42 : memref<200000x128xf32, #tpu.memory_space<hbm>>) offsets(%dma_start3A_39 : memref<128xi32, #tpu.memory_space<vmem>>) semaphore(%arg9 : memref<!tpu.dma_semaphore, #tpu.memory_space<semaphore_mem>>)
    %dma_start3A_43 = arith.constant 3 : i32
    %dma_start3A_44 = arith.constant 0 : i32
    %dma_start3A_45 = tpu.memref_slice %arg8[%dma_start3A_43, %dma_start3A_44] : memref<21x128xi32, #tpu.memory_space<vmem>> -> memref<1x128xi32, #tpu.memory_space<vmem>>
    %dma_start3A_46 = tpu.memref_squeeze %dma_start3A_45 : memref<1x128xi32, #tpu.memory_space<vmem>> -> memref<128xi32, #tpu.memory_space<vmem>>
    %dma_start3A_47 = arith.constant 0 : i32
    %dma_start3A_48 = arith.constant 0 : i32
    %dma_start3A_49 = tpu.memref_slice %arg5[%dma_start3A_47, %dma_start3A_48] : memref<200000x128xf32, #tpu.memory_space<hbm>> -> memref<200000x128xf32, #tpu.memory_space<hbm>>
    tpu.enqueue_indirect_dma source(%arg7 : memref<128x128xf32, #tpu.memory_space<vmem>>) target(%dma_start3A_49 : memref<200000x128xf32, #tpu.memory_space<hbm>>) offsets(%dma_start3A_46 : memref<128xi32, #tpu.memory_space<vmem>>) semaphore(%arg9 : memref<!tpu.dma_semaphore, #tpu.memory_space<semaphore_mem>>)
    %dma_start3A_50 = arith.constant 4 : i32
    %dma_start3A_51 = arith.constant 0 : i32
    %dma_start3A_52 = tpu.memref_slice %arg8[%dma_start3A_50, %dma_start3A_51] : memref<21x128xi32, #tpu.memory_space<vmem>> -> memref<1x128xi32, #tpu.memory_space<vmem>>
    %dma_start3A_53 = tpu.memref_squeeze %dma_start3A_52 : memref<1x128xi32, #tpu.memory_space<vmem>> -> memref<128xi32, #tpu.memory_space<vmem>>
    %dma_start3A_54 = arith.constant 0 : i32
    %dma_start3A_55 = arith.constant 0 : i32
    %dma_start3A_56 = tpu.memref_slice %arg5[%dma_start3A_54, %dma_start3A_55] : memref<200000x128xf32, #tpu.memory_space<hbm>> -> memref<200000x128xf32, #tpu.memory_space<hbm>>
    tpu.enqueue_indirect_dma source(%arg7 : memref<128x128xf32, #tpu.memory_space<vmem>>) target(%dma_start3A_56 : memref<200000x128xf32, #tpu.memory_space<hbm>>) offsets(%dma_start3A_53 : memref<128xi32, #tpu.memory_space<vmem>>) semaphore(%arg9 : memref<!tpu.dma_semaphore, #tpu.memory_space<semaphore_mem>>)
    %dma_start3A_57 = arith.constant 5 : i32
    %dma_start3A_58 = arith.constant 0 : i32
    %dma_start3A_59 = tpu.memref_slice %arg8[%dma_start3A_57, %dma_start3A_58] : memref<21x128xi32, #tpu.memory_space<vmem>> -> memref<1x128xi32, #tpu.memory_space<vmem>>
    %dma_start3A_60 = tpu.memref_squeeze %dma_start3A_59 : memref<1x128xi32, #tpu.memory_space<vmem>> -> memref<128xi32, #tpu.memory_space<vmem>>
    %dma_start3A_61 = arith.constant 0 : i32
    %dma_start3A_62 = arith.constant 0 : i32
    %dma_start3A_63 = tpu.memref_slice %arg5[%dma_start3A_61, %dma_start3A_62] : memref<200000x128xf32, #tpu.memory_space<hbm>> -> memref<200000x128xf32, #tpu.memory_space<hbm>>
    tpu.enqueue_indirect_dma source(%arg7 : memref<128x128xf32, #tpu.memory_space<vmem>>) target(%dma_start3A_63 : memref<200000x128xf32, #tpu.memory_space<hbm>>) offsets(%dma_start3A_60 : memref<128xi32, #tpu.memory_space<vmem>>) semaphore(%arg9 : memref<!tpu.dma_semaphore, #tpu.memory_space<semaphore_mem>>)
    %dma_start3A_64 = arith.constant 6 : i32
    %dma_start3A_65 = arith.constant 0 : i32
    %dma_start3A_66 = tpu.memref_slice %arg8[%dma_start3A_64, %dma_start3A_65] : memref<21x128xi32, #tpu.memory_space<vmem>> -> memref<1x128xi32, #tpu.memory_space<vmem>>
    %dma_start3A_67 = tpu.memref_squeeze %dma_start3A_66 : memref<1x128xi32, #tpu.memory_space<vmem>> -> memref<128xi32, #tpu.memory_space<vmem>>
    %dma_start3A_68 = arith.constant 0 : i32
    %dma_start3A_69 = arith.constant 0 : i32
    %dma_start3A_70 = tpu.memref_slice %arg5[%dma_start3A_68, %dma_start3A_69] : memref<200000x128xf32, #tpu.memory_space<hbm>> -> memref<200000x128xf32, #tpu.memory_space<hbm>>
    tpu.enqueue_indirect_dma source(%arg7 : memref<128x128xf32, #tpu.memory_space<vmem>>) target(%dma_start3A_70 : memref<200000x128xf32, #tpu.memory_space<hbm>>) offsets(%dma_start3A_67 : memref<128xi32, #tpu.memory_space<vmem>>) semaphore(%arg9 : memref<!tpu.dma_semaphore, #tpu.memory_space<semaphore_mem>>)
    %dma_start3A_71 = arith.constant 7 : i32
    %dma_start3A_72 = arith.constant 0 : i32
    %dma_start3A_73 = tpu.memref_slice %arg8[%dma_start3A_71, %dma_start3A_72] : memref<21x128xi32, #tpu.memory_space<vmem>> -> memref<1x128xi32, #tpu.memory_space<vmem>>
    %dma_start3A_74 = tpu.memref_squeeze %dma_start3A_73 : memref<1x128xi32, #tpu.memory_space<vmem>> -> memref<128xi32, #tpu.memory_space<vmem>>
    %dma_start3A_75 = arith.constant 0 : i32
    %dma_start3A_76 = arith.constant 0 : i32
    %dma_start3A_77 = tpu.memref_slice %arg5[%dma_start3A_75, %dma_start3A_76] : memref<200000x128xf32, #tpu.memory_space<hbm>> -> memref<200000x128xf32, #tpu.memory_space<hbm>>
    tpu.enqueue_indirect_dma source(%arg7 : memref<128x128xf32, #tpu.memory_space<vmem>>) target(%dma_start3A_77 : memref<200000x128xf32, #tpu.memory_space<hbm>>) offsets(%dma_start3A_74 : memref<128xi32, #tpu.memory_space<vmem>>) semaphore(%arg9 : memref<!tpu.dma_semaphore, #tpu.memory_space<semaphore_mem>>)
    %dma_start3A_78 = arith.constant 8 : i32
    %dma_start3A_79 = arith.constant 0 : i32
    %dma_start3A_80 = tpu.memref_slice %arg8[%dma_start3A_78, %dma_start3A_79] : memref<21x128xi32, #tpu.memory_space<vmem>> -> memref<1x128xi32, #tpu.memory_space<vmem>>
    %dma_start3A_81 = tpu.memref_squeeze %dma_start3A_80 : memref<1x128xi32, #tpu.memory_space<vmem>> -> memref<128xi32, #tpu.memory_space<vmem>>
    %dma_start3A_82 = arith.constant 0 : i32
    %dma_start3A_83 = arith.constant 0 : i32
    %dma_start3A_84 = tpu.memref_slice %arg5[%dma_start3A_82, %dma_start3A_83] : memref<200000x128xf32, #tpu.memory_space<hbm>> -> memref<200000x128xf32, #tpu.memory_space<hbm>>
    tpu.enqueue_indirect_dma source(%arg7 : memref<128x128xf32, #tpu.memory_space<vmem>>) target(%dma_start3A_84 : memref<200000x128xf32, #tpu.memory_space<hbm>>) offsets(%dma_start3A_81 : memref<128xi32, #tpu.memory_space<vmem>>) semaphore(%arg9 : memref<!tpu.dma_semaphore, #tpu.memory_space<semaphore_mem>>)
    %dma_start3A_85 = arith.constant 9 : i32
    %dma_start3A_86 = arith.constant 0 : i32
    %dma_start3A_87 = tpu.memref_slice %arg8[%dma_start3A_85, %dma_start3A_86] : memref<21x128xi32, #tpu.memory_space<vmem>> -> memref<1x128xi32, #tpu.memory_space<vmem>>
    %dma_start3A_88 = tpu.memref_squeeze %dma_start3A_87 : memref<1x128xi32, #tpu.memory_space<vmem>> -> memref<128xi32, #tpu.memory_space<vmem>>
    %dma_start3A_89 = arith.constant 0 : i32
    %dma_start3A_90 = arith.constant 0 : i32
    %dma_start3A_91 = tpu.memref_slice %arg5[%dma_start3A_89, %dma_start3A_90] : memref<200000x128xf32, #tpu.memory_space<hbm>> -> memref<200000x128xf32, #tpu.memory_space<hbm>>
    tpu.enqueue_indirect_dma source(%arg7 : memref<128x128xf32, #tpu.memory_space<vmem>>) target(%dma_start3A_91 : memref<200000x128xf32, #tpu.memory_space<hbm>>) offsets(%dma_start3A_88 : memref<128xi32, #tpu.memory_space<vmem>>) semaphore(%arg9 : memref<!tpu.dma_semaphore, #tpu.memory_space<semaphore_mem>>)
    %dma_start3A_92 = arith.constant 10 : i32
    %dma_start3A_93 = arith.constant 0 : i32
    %dma_start3A_94 = tpu.memref_slice %arg8[%dma_start3A_92, %dma_start3A_93] : memref<21x128xi32, #tpu.memory_space<vmem>> -> memref<1x128xi32, #tpu.memory_space<vmem>>
    %dma_start3A_95 = tpu.memref_squeeze %dma_start3A_94 : memref<1x128xi32, #tpu.memory_space<vmem>> -> memref<128xi32, #tpu.memory_space<vmem>>
    %dma_start3A_96 = arith.constant 0 : i32
    %dma_start3A_97 = arith.constant 0 : i32
    %dma_start3A_98 = tpu.memref_slice %arg5[%dma_start3A_96, %dma_start3A_97] : memref<200000x128xf32, #tpu.memory_space<hbm>> -> memref<200000x128xf32, #tpu.memory_space<hbm>>
    tpu.enqueue_indirect_dma source(%arg7 : memref<128x128xf32, #tpu.memory_space<vmem>>) target(%dma_start3A_98 : memref<200000x128xf32, #tpu.memory_space<hbm>>) offsets(%dma_start3A_95 : memref<128xi32, #tpu.memory_space<vmem>>) semaphore(%arg9 : memref<!tpu.dma_semaphore, #tpu.memory_space<semaphore_mem>>)
    %dma_start3A_99 = arith.constant 11 : i32
    %dma_start3A_100 = arith.constant 0 : i32
    %dma_start3A_101 = tpu.memref_slice %arg8[%dma_start3A_99, %dma_start3A_100] : memref<21x128xi32, #tpu.memory_space<vmem>> -> memref<1x128xi32, #tpu.memory_space<vmem>>
    %dma_start3A_102 = tpu.memref_squeeze %dma_start3A_101 : memref<1x128xi32, #tpu.memory_space<vmem>> -> memref<128xi32, #tpu.memory_space<vmem>>
    %dma_start3A_103 = arith.constant 0 : i32
    %dma_start3A_104 = arith.constant 0 : i32
    %dma_start3A_105 = tpu.memref_slice %arg5[%dma_start3A_103, %dma_start3A_104] : memref<200000x128xf32, #tpu.memory_space<hbm>> -> memref<200000x128xf32, #tpu.memory_space<hbm>>
    tpu.enqueue_indirect_dma source(%arg7 : memref<128x128xf32, #tpu.memory_space<vmem>>) target(%dma_start3A_105 : memref<200000x128xf32, #tpu.memory_space<hbm>>) offsets(%dma_start3A_102 : memref<128xi32, #tpu.memory_space<vmem>>) semaphore(%arg9 : memref<!tpu.dma_semaphore, #tpu.memory_space<semaphore_mem>>)
    %dma_start3A_106 = arith.constant 12 : i32
    %dma_start3A_107 = arith.constant 0 : i32
    %dma_start3A_108 = tpu.memref_slice %arg8[%dma_start3A_106, %dma_start3A_107] : memref<21x128xi32, #tpu.memory_space<vmem>> -> memref<1x128xi32, #tpu.memory_space<vmem>>
    %dma_start3A_109 = tpu.memref_squeeze %dma_start3A_108 : memref<1x128xi32, #tpu.memory_space<vmem>> -> memref<128xi32, #tpu.memory_space<vmem>>
    %dma_start3A_110 = arith.constant 0 : i32
    %dma_start3A_111 = arith.constant 0 : i32
    %dma_start3A_112 = tpu.memref_slice %arg5[%dma_start3A_110, %dma_start3A_111] : memref<200000x128xf32, #tpu.memory_space<hbm>> -> memref<200000x128xf32, #tpu.memory_space<hbm>>
    tpu.enqueue_indirect_dma source(%arg7 : memref<128x128xf32, #tpu.memory_space<vmem>>) target(%dma_start3A_112 : memref<200000x128xf32, #tpu.memory_space<hbm>>) offsets(%dma_start3A_109 : memref<128xi32, #tpu.memory_space<vmem>>) semaphore(%arg9 : memref<!tpu.dma_semaphore, #tpu.memory_space<semaphore_mem>>)
    %dma_start3A_113 = arith.constant 13 : i32
    %dma_start3A_114 = arith.constant 0 : i32
    %dma_start3A_115 = tpu.memref_slice %arg8[%dma_start3A_113, %dma_start3A_114] : memref<21x128xi32, #tpu.memory_space<vmem>> -> memref<1x128xi32, #tpu.memory_space<vmem>>
    %dma_start3A_116 = tpu.memref_squeeze %dma_start3A_115 : memref<1x128xi32, #tpu.memory_space<vmem>> -> memref<128xi32, #tpu.memory_space<vmem>>
    %dma_start3A_117 = arith.constant 0 : i32
    %dma_start3A_118 = arith.constant 0 : i32
    %dma_start3A_119 = tpu.memref_slice %arg5[%dma_start3A_117, %dma_start3A_118] : memref<200000x128xf32, #tpu.memory_space<hbm>> -> memref<200000x128xf32, #tpu.memory_space<hbm>>
    tpu.enqueue_indirect_dma source(%arg7 : memref<128x128xf32, #tpu.memory_space<vmem>>) target(%dma_start3A_119 : memref<200000x128xf32, #tpu.memory_space<hbm>>) offsets(%dma_start3A_116 : memref<128xi32, #tpu.memory_space<vmem>>) semaphore(%arg9 : memref<!tpu.dma_semaphore, #tpu.memory_space<semaphore_mem>>)
    %dma_start3A_120 = arith.constant 14 : i32
    %dma_start3A_121 = arith.constant 0 : i32
    %dma_start3A_122 = tpu.memref_slice %arg8[%dma_start3A_120, %dma_start3A_121] : memref<21x128xi32, #tpu.memory_space<vmem>> -> memref<1x128xi32, #tpu.memory_space<vmem>>
    %dma_start3A_123 = tpu.memref_squeeze %dma_start3A_122 : memref<1x128xi32, #tpu.memory_space<vmem>> -> memref<128xi32, #tpu.memory_space<vmem>>
    %dma_start3A_124 = arith.constant 0 : i32
    %dma_start3A_125 = arith.constant 0 : i32
    %dma_start3A_126 = tpu.memref_slice %arg5[%dma_start3A_124, %dma_start3A_125] : memref<200000x128xf32, #tpu.memory_space<hbm>> -> memref<200000x128xf32, #tpu.memory_space<hbm>>
    tpu.enqueue_indirect_dma source(%arg7 : memref<128x128xf32, #tpu.memory_space<vmem>>) target(%dma_start3A_126 : memref<200000x128xf32, #tpu.memory_space<hbm>>) offsets(%dma_start3A_123 : memref<128xi32, #tpu.memory_space<vmem>>) semaphore(%arg9 : memref<!tpu.dma_semaphore, #tpu.memory_space<semaphore_mem>>)
    %dma_start3A_127 = arith.constant 15 : i32
    %dma_start3A_128 = arith.constant 0 : i32
    %dma_start3A_129 = tpu.memref_slice %arg8[%dma_start3A_127, %dma_start3A_128] : memref<21x128xi32, #tpu.memory_space<vmem>> -> memref<1x128xi32, #tpu.memory_space<vmem>>
    %dma_start3A_130 = tpu.memref_squeeze %dma_start3A_129 : memref<1x128xi32, #tpu.memory_space<vmem>> -> memref<128xi32, #tpu.memory_space<vmem>>
    %dma_start3A_131 = arith.constant 0 : i32
    %dma_start3A_132 = arith.constant 0 : i32
    %dma_start3A_133 = tpu.memref_slice %arg5[%dma_start3A_131, %dma_start3A_132] : memref<200000x128xf32, #tpu.memory_space<hbm>> -> memref<200000x128xf32, #tpu.memory_space<hbm>>
    tpu.enqueue_indirect_dma source(%arg7 : memref<128x128xf32, #tpu.memory_space<vmem>>) target(%dma_start3A_133 : memref<200000x128xf32, #tpu.memory_space<hbm>>) offsets(%dma_start3A_130 : memref<128xi32, #tpu.memory_space<vmem>>) semaphore(%arg9 : memref<!tpu.dma_semaphore, #tpu.memory_space<semaphore_mem>>)
    %dma_start3A_134 = arith.constant 16 : i32
    %dma_start3A_135 = arith.constant 0 : i32
    %dma_start3A_136 = tpu.memref_slice %arg8[%dma_start3A_134, %dma_start3A_135] : memref<21x128xi32, #tpu.memory_space<vmem>> -> memref<1x128xi32, #tpu.memory_space<vmem>>
    %dma_start3A_137 = tpu.memref_squeeze %dma_start3A_136 : memref<1x128xi32, #tpu.memory_space<vmem>> -> memref<128xi32, #tpu.memory_space<vmem>>
    %dma_start3A_138 = arith.constant 0 : i32
    %dma_start3A_139 = arith.constant 0 : i32
    %dma_start3A_140 = tpu.memref_slice %arg5[%dma_start3A_138, %dma_start3A_139] : memref<200000x128xf32, #tpu.memory_space<hbm>> -> memref<200000x128xf32, #tpu.memory_space<hbm>>
    tpu.enqueue_indirect_dma source(%arg7 : memref<128x128xf32, #tpu.memory_space<vmem>>) target(%dma_start3A_140 : memref<200000x128xf32, #tpu.memory_space<hbm>>) offsets(%dma_start3A_137 : memref<128xi32, #tpu.memory_space<vmem>>) semaphore(%arg9 : memref<!tpu.dma_semaphore, #tpu.memory_space<semaphore_mem>>)
    %dma_start3A_141 = arith.constant 17 : i32
    %dma_start3A_142 = arith.constant 0 : i32
    %dma_start3A_143 = tpu.memref_slice %arg8[%dma_start3A_141, %dma_start3A_142] : memref<21x128xi32, #tpu.memory_space<vmem>> -> memref<1x128xi32, #tpu.memory_space<vmem>>
    %dma_start3A_144 = tpu.memref_squeeze %dma_start3A_143 : memref<1x128xi32, #tpu.memory_space<vmem>> -> memref<128xi32, #tpu.memory_space<vmem>>
    %dma_start3A_145 = arith.constant 0 : i32
    %dma_start3A_146 = arith.constant 0 : i32
    %dma_start3A_147 = tpu.memref_slice %arg5[%dma_start3A_145, %dma_start3A_146] : memref<200000x128xf32, #tpu.memory_space<hbm>> -> memref<200000x128xf32, #tpu.memory_space<hbm>>
    tpu.enqueue_indirect_dma source(%arg7 : memref<128x128xf32, #tpu.memory_space<vmem>>) target(%dma_start3A_147 : memref<200000x128xf32, #tpu.memory_space<hbm>>) offsets(%dma_start3A_144 : memref<128xi32, #tpu.memory_space<vmem>>) semaphore(%arg9 : memref<!tpu.dma_semaphore, #tpu.memory_space<semaphore_mem>>)
    %dma_start3A_148 = arith.constant 18 : i32
    %dma_start3A_149 = arith.constant 0 : i32
    %dma_start3A_150 = tpu.memref_slice %arg8[%dma_start3A_148, %dma_start3A_149] : memref<21x128xi32, #tpu.memory_space<vmem>> -> memref<1x128xi32, #tpu.memory_space<vmem>>
    %dma_start3A_151 = tpu.memref_squeeze %dma_start3A_150 : memref<1x128xi32, #tpu.memory_space<vmem>> -> memref<128xi32, #tpu.memory_space<vmem>>
    %dma_start3A_152 = arith.constant 0 : i32
    %dma_start3A_153 = arith.constant 0 : i32
    %dma_start3A_154 = tpu.memref_slice %arg5[%dma_start3A_152, %dma_start3A_153] : memref<200000x128xf32, #tpu.memory_space<hbm>> -> memref<200000x128xf32, #tpu.memory_space<hbm>>
    tpu.enqueue_indirect_dma source(%arg7 : memref<128x128xf32, #tpu.memory_space<vmem>>) target(%dma_start3A_154 : memref<200000x128xf32, #tpu.memory_space<hbm>>) offsets(%dma_start3A_151 : memref<128xi32, #tpu.memory_space<vmem>>) semaphore(%arg9 : memref<!tpu.dma_semaphore, #tpu.memory_space<semaphore_mem>>)
    %dma_start3A_155 = arith.constant 19 : i32
    %dma_start3A_156 = arith.constant 0 : i32
    %dma_start3A_157 = tpu.memref_slice %arg8[%dma_start3A_155, %dma_start3A_156] : memref<21x128xi32, #tpu.memory_space<vmem>> -> memref<1x128xi32, #tpu.memory_space<vmem>>
    %dma_start3A_158 = tpu.memref_squeeze %dma_start3A_157 : memref<1x128xi32, #tpu.memory_space<vmem>> -> memref<128xi32, #tpu.memory_space<vmem>>
    %dma_start3A_159 = arith.constant 0 : i32
    %dma_start3A_160 = arith.constant 0 : i32
    %dma_start3A_161 = tpu.memref_slice %arg5[%dma_start3A_159, %dma_start3A_160] : memref<200000x128xf32, #tpu.memory_space<hbm>> -> memref<200000x128xf32, #tpu.memory_space<hbm>>
    tpu.enqueue_indirect_dma source(%arg7 : memref<128x128xf32, #tpu.memory_space<vmem>>) target(%dma_start3A_161 : memref<200000x128xf32, #tpu.memory_space<hbm>>) offsets(%dma_start3A_158 : memref<128xi32, #tpu.memory_space<vmem>>) semaphore(%arg9 : memref<!tpu.dma_semaphore, #tpu.memory_space<semaphore_mem>>)
    %dma_start3A_162 = arith.constant 20 : i32
    %dma_start3A_163 = arith.constant 0 : i32
    %dma_start3A_164 = tpu.memref_slice %arg8[%dma_start3A_162, %dma_start3A_163] : memref<21x128xi32, #tpu.memory_space<vmem>> -> memref<1x128xi32, #tpu.memory_space<vmem>>
    %dma_start3A_165 = tpu.memref_squeeze %dma_start3A_164 : memref<1x128xi32, #tpu.memory_space<vmem>> -> memref<128xi32, #tpu.memory_space<vmem>>
    %dma_start3A_166 = arith.constant 0 : i32
    %dma_start3A_167 = arith.constant 0 : i32
    %dma_start3A_168 = tpu.memref_slice %arg5[%dma_start3A_166, %dma_start3A_167] : memref<200000x128xf32, #tpu.memory_space<hbm>> -> memref<200000x128xf32, #tpu.memory_space<hbm>>
    tpu.enqueue_indirect_dma source(%arg7 : memref<128x128xf32, #tpu.memory_space<vmem>>) target(%dma_start3A_168 : memref<200000x128xf32, #tpu.memory_space<hbm>>) offsets(%dma_start3A_165 : memref<128xi32, #tpu.memory_space<vmem>>) semaphore(%arg9 : memref<!tpu.dma_semaphore, #tpu.memory_space<semaphore_mem>>)
    %dma_wait3A = arith.constant 0 : i32
    %dma_wait3A_169 = arith.constant 0 : i32
    %dma_wait3A_170 = tpu.memref_slice %arg8[%dma_wait3A, %dma_wait3A_169] : memref<21x128xi32, #tpu.memory_space<vmem>> -> memref<1x128xi32, #tpu.memory_space<vmem>>
    %dma_wait3A_171 = tpu.memref_squeeze %dma_wait3A_170 : memref<1x128xi32, #tpu.memory_space<vmem>> -> memref<128xi32, #tpu.memory_space<vmem>>
    %dma_wait3A_172 = arith.constant 0 : i32
    %dma_wait3A_173 = arith.constant 0 : i32
    %dma_wait3A_174 = tpu.memref_slice %arg5[%dma_wait3A_172, %dma_wait3A_173] : memref<200000x128xf32, #tpu.memory_space<hbm>> -> memref<200000x128xf32, #tpu.memory_space<hbm>>
    tpu.wait_indirect_dma semaphore(%arg9 : memref<!tpu.dma_semaphore, #tpu.memory_space<semaphore_mem>>) src(%arg7 : memref<128x128xf32, #tpu.memory_space<vmem>>) dst(%dma_wait3A_174 : memref<200000x128xf32, #tpu.memory_space<hbm>>)
    %dma_wait3A_175 = arith.constant 1 : i32
    %dma_wait3A_176 = arith.constant 0 : i32
    %dma_wait3A_177 = tpu.memref_slice %arg8[%dma_wait3A_175, %dma_wait3A_176] : memref<21x128xi32, #tpu.memory_space<vmem>> -> memref<1x128xi32, #tpu.memory_space<vmem>>
    %dma_wait3A_178 = tpu.memref_squeeze %dma_wait3A_177 : memref<1x128xi32, #tpu.memory_space<vmem>> -> memref<128xi32, #tpu.memory_space<vmem>>
    %dma_wait3A_179 = arith.constant 0 : i32
    %dma_wait3A_180 = arith.constant 0 : i32
    %dma_wait3A_181 = tpu.memref_slice %arg5[%dma_wait3A_179, %dma_wait3A_180] : memref<200000x128xf32, #tpu.memory_space<hbm>> -> memref<200000x128xf32, #tpu.memory_space<hbm>>
    tpu.wait_indirect_dma semaphore(%arg9 : memref<!tpu.dma_semaphore, #tpu.memory_space<semaphore_mem>>) src(%arg7 : memref<128x128xf32, #tpu.memory_space<vmem>>) dst(%dma_wait3A_181 : memref<200000x128xf32, #tpu.memory_space<hbm>>)
    %dma_wait3A_182 = arith.constant 2 : i32
    %dma_wait3A_183 = arith.constant 0 : i32
    %dma_wait3A_184 = tpu.memref_slice %arg8[%dma_wait3A_182, %dma_wait3A_183] : memref<21x128xi32, #tpu.memory_space<vmem>> -> memref<1x128xi32, #tpu.memory_space<vmem>>
    %dma_wait3A_185 = tpu.memref_squeeze %dma_wait3A_184 : memref<1x128xi32, #tpu.memory_space<vmem>> -> memref<128xi32, #tpu.memory_space<vmem>>
    %dma_wait3A_186 = arith.constant 0 : i32
    %dma_wait3A_187 = arith.constant 0 : i32
    %dma_wait3A_188 = tpu.memref_slice %arg5[%dma_wait3A_186, %dma_wait3A_187] : memref<200000x128xf32, #tpu.memory_space<hbm>> -> memref<200000x128xf32, #tpu.memory_space<hbm>>
    tpu.wait_indirect_dma semaphore(%arg9 : memref<!tpu.dma_semaphore, #tpu.memory_space<semaphore_mem>>) src(%arg7 : memref<128x128xf32, #tpu.memory_space<vmem>>) dst(%dma_wait3A_188 : memref<200000x128xf32, #tpu.memory_space<hbm>>)
    %dma_wait3A_189 = arith.constant 3 : i32
    %dma_wait3A_190 = arith.constant 0 : i32
    %dma_wait3A_191 = tpu.memref_slice %arg8[%dma_wait3A_189, %dma_wait3A_190] : memref<21x128xi32, #tpu.memory_space<vmem>> -> memref<1x128xi32, #tpu.memory_space<vmem>>
    %dma_wait3A_192 = tpu.memref_squeeze %dma_wait3A_191 : memref<1x128xi32, #tpu.memory_space<vmem>> -> memref<128xi32, #tpu.memory_space<vmem>>
    %dma_wait3A_193 = arith.constant 0 : i32
    %dma_wait3A_194 = arith.constant 0 : i32
    %dma_wait3A_195 = tpu.memref_slice %arg5[%dma_wait3A_193, %dma_wait3A_194] : memref<200000x128xf32, #tpu.memory_space<hbm>> -> memref<200000x128xf32, #tpu.memory_space<hbm>>
    tpu.wait_indirect_dma semaphore(%arg9 : memref<!tpu.dma_semaphore, #tpu.memory_space<semaphore_mem>>) src(%arg7 : memref<128x128xf32, #tpu.memory_space<vmem>>) dst(%dma_wait3A_195 : memref<200000x128xf32, #tpu.memory_space<hbm>>)
    %dma_wait3A_196 = arith.constant 4 : i32
    %dma_wait3A_197 = arith.constant 0 : i32
    %dma_wait3A_198 = tpu.memref_slice %arg8[%dma_wait3A_196, %dma_wait3A_197] : memref<21x128xi32, #tpu.memory_space<vmem>> -> memref<1x128xi32, #tpu.memory_space<vmem>>
    %dma_wait3A_199 = tpu.memref_squeeze %dma_wait3A_198 : memref<1x128xi32, #tpu.memory_space<vmem>> -> memref<128xi32, #tpu.memory_space<vmem>>
    %dma_wait3A_200 = arith.constant 0 : i32
    %dma_wait3A_201 = arith.constant 0 : i32
    %dma_wait3A_202 = tpu.memref_slice %arg5[%dma_wait3A_200, %dma_wait3A_201] : memref<200000x128xf32, #tpu.memory_space<hbm>> -> memref<200000x128xf32, #tpu.memory_space<hbm>>
    tpu.wait_indirect_dma semaphore(%arg9 : memref<!tpu.dma_semaphore, #tpu.memory_space<semaphore_mem>>) src(%arg7 : memref<128x128xf32, #tpu.memory_space<vmem>>) dst(%dma_wait3A_202 : memref<200000x128xf32, #tpu.memory_space<hbm>>)
    %dma_wait3A_203 = arith.constant 5 : i32
    %dma_wait3A_204 = arith.constant 0 : i32
    %dma_wait3A_205 = tpu.memref_slice %arg8[%dma_wait3A_203, %dma_wait3A_204] : memref<21x128xi32, #tpu.memory_space<vmem>> -> memref<1x128xi32, #tpu.memory_space<vmem>>
    %dma_wait3A_206 = tpu.memref_squeeze %dma_wait3A_205 : memref<1x128xi32, #tpu.memory_space<vmem>> -> memref<128xi32, #tpu.memory_space<vmem>>
    %dma_wait3A_207 = arith.constant 0 : i32
    %dma_wait3A_208 = arith.constant 0 : i32
    %dma_wait3A_209 = tpu.memref_slice %arg5[%dma_wait3A_207, %dma_wait3A_208] : memref<200000x128xf32, #tpu.memory_space<hbm>> -> memref<200000x128xf32, #tpu.memory_space<hbm>>
    tpu.wait_indirect_dma semaphore(%arg9 : memref<!tpu.dma_semaphore, #tpu.memory_space<semaphore_mem>>) src(%arg7 : memref<128x128xf32, #tpu.memory_space<vmem>>) dst(%dma_wait3A_209 : memref<200000x128xf32, #tpu.memory_space<hbm>>)
    %dma_wait3A_210 = arith.constant 6 : i32
    %dma_wait3A_211 = arith.constant 0 : i32
    %dma_wait3A_212 = tpu.memref_slice %arg8[%dma_wait3A_210, %dma_wait3A_211] : memref<21x128xi32, #tpu.memory_space<vmem>> -> memref<1x128xi32, #tpu.memory_space<vmem>>
    %dma_wait3A_213 = tpu.memref_squeeze %dma_wait3A_212 : memref<1x128xi32, #tpu.memory_space<vmem>> -> memref<128xi32, #tpu.memory_space<vmem>>
    %dma_wait3A_214 = arith.constant 0 : i32
    %dma_wait3A_215 = arith.constant 0 : i32
    %dma_wait3A_216 = tpu.memref_slice %arg5[%dma_wait3A_214, %dma_wait3A_215] : memref<200000x128xf32, #tpu.memory_space<hbm>> -> memref<200000x128xf32, #tpu.memory_space<hbm>>
    tpu.wait_indirect_dma semaphore(%arg9 : memref<!tpu.dma_semaphore, #tpu.memory_space<semaphore_mem>>) src(%arg7 : memref<128x128xf32, #tpu.memory_space<vmem>>) dst(%dma_wait3A_216 : memref<200000x128xf32, #tpu.memory_space<hbm>>)
    %dma_wait3A_217 = arith.constant 7 : i32
    %dma_wait3A_218 = arith.constant 0 : i32
    %dma_wait3A_219 = tpu.memref_slice %arg8[%dma_wait3A_217, %dma_wait3A_218] : memref<21x128xi32, #tpu.memory_space<vmem>> -> memref<1x128xi32, #tpu.memory_space<vmem>>
    %dma_wait3A_220 = tpu.memref_squeeze %dma_wait3A_219 : memref<1x128xi32, #tpu.memory_space<vmem>> -> memref<128xi32, #tpu.memory_space<vmem>>
    %dma_wait3A_221 = arith.constant 0 : i32
    %dma_wait3A_222 = arith.constant 0 : i32
    %dma_wait3A_223 = tpu.memref_slice %arg5[%dma_wait3A_221, %dma_wait3A_222] : memref<200000x128xf32, #tpu.memory_space<hbm>> -> memref<200000x128xf32, #tpu.memory_space<hbm>>
    tpu.wait_indirect_dma semaphore(%arg9 : memref<!tpu.dma_semaphore, #tpu.memory_space<semaphore_mem>>) src(%arg7 : memref<128x128xf32, #tpu.memory_space<vmem>>) dst(%dma_wait3A_223 : memref<200000x128xf32, #tpu.memory_space<hbm>>)
    %dma_wait3A_224 = arith.constant 8 : i32
    %dma_wait3A_225 = arith.constant 0 : i32
    %dma_wait3A_226 = tpu.memref_slice %arg8[%dma_wait3A_224, %dma_wait3A_225] : memref<21x128xi32, #tpu.memory_space<vmem>> -> memref<1x128xi32, #tpu.memory_space<vmem>>
    %dma_wait3A_227 = tpu.memref_squeeze %dma_wait3A_226 : memref<1x128xi32, #tpu.memory_space<vmem>> -> memref<128xi32, #tpu.memory_space<vmem>>
    %dma_wait3A_228 = arith.constant 0 : i32
    %dma_wait3A_229 = arith.constant 0 : i32
    %dma_wait3A_230 = tpu.memref_slice %arg5[%dma_wait3A_228, %dma_wait3A_229] : memref<200000x128xf32, #tpu.memory_space<hbm>> -> memref<200000x128xf32, #tpu.memory_space<hbm>>
    tpu.wait_indirect_dma semaphore(%arg9 : memref<!tpu.dma_semaphore, #tpu.memory_space<semaphore_mem>>) src(%arg7 : memref<128x128xf32, #tpu.memory_space<vmem>>) dst(%dma_wait3A_230 : memref<200000x128xf32, #tpu.memory_space<hbm>>)
    %dma_wait3A_231 = arith.constant 9 : i32
    %dma_wait3A_232 = arith.constant 0 : i32
    %dma_wait3A_233 = tpu.memref_slice %arg8[%dma_wait3A_231, %dma_wait3A_232] : memref<21x128xi32, #tpu.memory_space<vmem>> -> memref<1x128xi32, #tpu.memory_space<vmem>>
    %dma_wait3A_234 = tpu.memref_squeeze %dma_wait3A_233 : memref<1x128xi32, #tpu.memory_space<vmem>> -> memref<128xi32, #tpu.memory_space<vmem>>
    %dma_wait3A_235 = arith.constant 0 : i32
    %dma_wait3A_236 = arith.constant 0 : i32
    %dma_wait3A_237 = tpu.memref_slice %arg5[%dma_wait3A_235, %dma_wait3A_236] : memref<200000x128xf32, #tpu.memory_space<hbm>> -> memref<200000x128xf32, #tpu.memory_space<hbm>>
    tpu.wait_indirect_dma semaphore(%arg9 : memref<!tpu.dma_semaphore, #tpu.memory_space<semaphore_mem>>) src(%arg7 : memref<128x128xf32, #tpu.memory_space<vmem>>) dst(%dma_wait3A_237 : memref<200000x128xf32, #tpu.memory_space<hbm>>)
    %dma_wait3A_238 = arith.constant 10 : i32
    %dma_wait3A_239 = arith.constant 0 : i32
    %dma_wait3A_240 = tpu.memref_slice %arg8[%dma_wait3A_238, %dma_wait3A_239] : memref<21x128xi32, #tpu.memory_space<vmem>> -> memref<1x128xi32, #tpu.memory_space<vmem>>
    %dma_wait3A_241 = tpu.memref_squeeze %dma_wait3A_240 : memref<1x128xi32, #tpu.memory_space<vmem>> -> memref<128xi32, #tpu.memory_space<vmem>>
    %dma_wait3A_242 = arith.constant 0 : i32
    %dma_wait3A_243 = arith.constant 0 : i32
    %dma_wait3A_244 = tpu.memref_slice %arg5[%dma_wait3A_242, %dma_wait3A_243] : memref<200000x128xf32, #tpu.memory_space<hbm>> -> memref<200000x128xf32, #tpu.memory_space<hbm>>
    tpu.wait_indirect_dma semaphore(%arg9 : memref<!tpu.dma_semaphore, #tpu.memory_space<semaphore_mem>>) src(%arg7 : memref<128x128xf32, #tpu.memory_space<vmem>>) dst(%dma_wait3A_244 : memref<200000x128xf32, #tpu.memory_space<hbm>>)
    %dma_wait3A_245 = arith.constant 11 : i32
    %dma_wait3A_246 = arith.constant 0 : i32
    %dma_wait3A_247 = tpu.memref_slice %arg8[%dma_wait3A_245, %dma_wait3A_246] : memref<21x128xi32, #tpu.memory_space<vmem>> -> memref<1x128xi32, #tpu.memory_space<vmem>>
    %dma_wait3A_248 = tpu.memref_squeeze %dma_wait3A_247 : memref<1x128xi32, #tpu.memory_space<vmem>> -> memref<128xi32, #tpu.memory_space<vmem>>
    %dma_wait3A_249 = arith.constant 0 : i32
    %dma_wait3A_250 = arith.constant 0 : i32
    %dma_wait3A_251 = tpu.memref_slice %arg5[%dma_wait3A_249, %dma_wait3A_250] : memref<200000x128xf32, #tpu.memory_space<hbm>> -> memref<200000x128xf32, #tpu.memory_space<hbm>>
    tpu.wait_indirect_dma semaphore(%arg9 : memref<!tpu.dma_semaphore, #tpu.memory_space<semaphore_mem>>) src(%arg7 : memref<128x128xf32, #tpu.memory_space<vmem>>) dst(%dma_wait3A_251 : memref<200000x128xf32, #tpu.memory_space<hbm>>)
    %dma_wait3A_252 = arith.constant 12 : i32
    %dma_wait3A_253 = arith.constant 0 : i32
    %dma_wait3A_254 = tpu.memref_slice %arg8[%dma_wait3A_252, %dma_wait3A_253] : memref<21x128xi32, #tpu.memory_space<vmem>> -> memref<1x128xi32, #tpu.memory_space<vmem>>
    %dma_wait3A_255 = tpu.memref_squeeze %dma_wait3A_254 : memref<1x128xi32, #tpu.memory_space<vmem>> -> memref<128xi32, #tpu.memory_space<vmem>>
    %dma_wait3A_256 = arith.constant 0 : i32
    %dma_wait3A_257 = arith.constant 0 : i32
    %dma_wait3A_258 = tpu.memref_slice %arg5[%dma_wait3A_256, %dma_wait3A_257] : memref<200000x128xf32, #tpu.memory_space<hbm>> -> memref<200000x128xf32, #tpu.memory_space<hbm>>
    tpu.wait_indirect_dma semaphore(%arg9 : memref<!tpu.dma_semaphore, #tpu.memory_space<semaphore_mem>>) src(%arg7 : memref<128x128xf32, #tpu.memory_space<vmem>>) dst(%dma_wait3A_258 : memref<200000x128xf32, #tpu.memory_space<hbm>>)
    %dma_wait3A_259 = arith.constant 13 : i32
    %dma_wait3A_260 = arith.constant 0 : i32
    %dma_wait3A_261 = tpu.memref_slice %arg8[%dma_wait3A_259, %dma_wait3A_260] : memref<21x128xi32, #tpu.memory_space<vmem>> -> memref<1x128xi32, #tpu.memory_space<vmem>>
    %dma_wait3A_262 = tpu.memref_squeeze %dma_wait3A_261 : memref<1x128xi32, #tpu.memory_space<vmem>> -> memref<128xi32, #tpu.memory_space<vmem>>
    %dma_wait3A_263 = arith.constant 0 : i32
    %dma_wait3A_264 = arith.constant 0 : i32
    %dma_wait3A_265 = tpu.memref_slice %arg5[%dma_wait3A_263, %dma_wait3A_264] : memref<200000x128xf32, #tpu.memory_space<hbm>> -> memref<200000x128xf32, #tpu.memory_space<hbm>>
    tpu.wait_indirect_dma semaphore(%arg9 : memref<!tpu.dma_semaphore, #tpu.memory_space<semaphore_mem>>) src(%arg7 : memref<128x128xf32, #tpu.memory_space<vmem>>) dst(%dma_wait3A_265 : memref<200000x128xf32, #tpu.memory_space<hbm>>)
    %dma_wait3A_266 = arith.constant 14 : i32
    %dma_wait3A_267 = arith.constant 0 : i32
    %dma_wait3A_268 = tpu.memref_slice %arg8[%dma_wait3A_266, %dma_wait3A_267] : memref<21x128xi32, #tpu.memory_space<vmem>> -> memref<1x128xi32, #tpu.memory_space<vmem>>
    %dma_wait3A_269 = tpu.memref_squeeze %dma_wait3A_268 : memref<1x128xi32, #tpu.memory_space<vmem>> -> memref<128xi32, #tpu.memory_space<vmem>>
    %dma_wait3A_270 = arith.constant 0 : i32
    %dma_wait3A_271 = arith.constant 0 : i32
    %dma_wait3A_272 = tpu.memref_slice %arg5[%dma_wait3A_270, %dma_wait3A_271] : memref<200000x128xf32, #tpu.memory_space<hbm>> -> memref<200000x128xf32, #tpu.memory_space<hbm>>
    tpu.wait_indirect_dma semaphore(%arg9 : memref<!tpu.dma_semaphore, #tpu.memory_space<semaphore_mem>>) src(%arg7 : memref<128x128xf32, #tpu.memory_space<vmem>>) dst(%dma_wait3A_272 : memref<200000x128xf32, #tpu.memory_space<hbm>>)
    %dma_wait3A_273 = arith.constant 15 : i32
    %dma_wait3A_274 = arith.constant 0 : i32
    %dma_wait3A_275 = tpu.memref_slice %arg8[%dma_wait3A_273, %dma_wait3A_274] : memref<21x128xi32, #tpu.memory_space<vmem>> -> memref<1x128xi32, #tpu.memory_space<vmem>>
    %dma_wait3A_276 = tpu.memref_squeeze %dma_wait3A_275 : memref<1x128xi32, #tpu.memory_space<vmem>> -> memref<128xi32, #tpu.memory_space<vmem>>
    %dma_wait3A_277 = arith.constant 0 : i32
    %dma_wait3A_278 = arith.constant 0 : i32
    %dma_wait3A_279 = tpu.memref_slice %arg5[%dma_wait3A_277, %dma_wait3A_278] : memref<200000x128xf32, #tpu.memory_space<hbm>> -> memref<200000x128xf32, #tpu.memory_space<hbm>>
    tpu.wait_indirect_dma semaphore(%arg9 : memref<!tpu.dma_semaphore, #tpu.memory_space<semaphore_mem>>) src(%arg7 : memref<128x128xf32, #tpu.memory_space<vmem>>) dst(%dma_wait3A_279 : memref<200000x128xf32, #tpu.memory_space<hbm>>)
    %dma_wait3A_280 = arith.constant 16 : i32
    %dma_wait3A_281 = arith.constant 0 : i32
    %dma_wait3A_282 = tpu.memref_slice %arg8[%dma_wait3A_280, %dma_wait3A_281] : memref<21x128xi32, #tpu.memory_space<vmem>> -> memref<1x128xi32, #tpu.memory_space<vmem>>
    %dma_wait3A_283 = tpu.memref_squeeze %dma_wait3A_282 : memref<1x128xi32, #tpu.memory_space<vmem>> -> memref<128xi32, #tpu.memory_space<vmem>>
    %dma_wait3A_284 = arith.constant 0 : i32
    %dma_wait3A_285 = arith.constant 0 : i32
    %dma_wait3A_286 = tpu.memref_slice %arg5[%dma_wait3A_284, %dma_wait3A_285] : memref<200000x128xf32, #tpu.memory_space<hbm>> -> memref<200000x128xf32, #tpu.memory_space<hbm>>
    tpu.wait_indirect_dma semaphore(%arg9 : memref<!tpu.dma_semaphore, #tpu.memory_space<semaphore_mem>>) src(%arg7 : memref<128x128xf32, #tpu.memory_space<vmem>>) dst(%dma_wait3A_286 : memref<200000x128xf32, #tpu.memory_space<hbm>>)
    %dma_wait3A_287 = arith.constant 17 : i32
    %dma_wait3A_288 = arith.constant 0 : i32
    %dma_wait3A_289 = tpu.memref_slice %arg8[%dma_wait3A_287, %dma_wait3A_288] : memref<21x128xi32, #tpu.memory_space<vmem>> -> memref<1x128xi32, #tpu.memory_space<vmem>>
    %dma_wait3A_290 = tpu.memref_squeeze %dma_wait3A_289 : memref<1x128xi32, #tpu.memory_space<vmem>> -> memref<128xi32, #tpu.memory_space<vmem>>
    %dma_wait3A_291 = arith.constant 0 : i32
    %dma_wait3A_292 = arith.constant 0 : i32
    %dma_wait3A_293 = tpu.memref_slice %arg5[%dma_wait3A_291, %dma_wait3A_292] : memref<200000x128xf32, #tpu.memory_space<hbm>> -> memref<200000x128xf32, #tpu.memory_space<hbm>>
    tpu.wait_indirect_dma semaphore(%arg9 : memref<!tpu.dma_semaphore, #tpu.memory_space<semaphore_mem>>) src(%arg7 : memref<128x128xf32, #tpu.memory_space<vmem>>) dst(%dma_wait3A_293 : memref<200000x128xf32, #tpu.memory_space<hbm>>)
    %dma_wait3A_294 = arith.constant 18 : i32
    %dma_wait3A_295 = arith.constant 0 : i32
    %dma_wait3A_296 = tpu.memref_slice %arg8[%dma_wait3A_294, %dma_wait3A_295] : memref<21x128xi32, #tpu.memory_space<vmem>> -> memref<1x128xi32, #tpu.memory_space<vmem>>
    %dma_wait3A_297 = tpu.memref_squeeze %dma_wait3A_296 : memref<1x128xi32, #tpu.memory_space<vmem>> -> memref<128xi32, #tpu.memory_space<vmem>>
    %dma_wait3A_298 = arith.constant 0 : i32
    %dma_wait3A_299 = arith.constant 0 : i32
    %dma_wait3A_300 = tpu.memref_slice %arg5[%dma_wait3A_298, %dma_wait3A_299] : memref<200000x128xf32, #tpu.memory_space<hbm>> -> memref<200000x128xf32, #tpu.memory_space<hbm>>
    tpu.wait_indirect_dma semaphore(%arg9 : memref<!tpu.dma_semaphore, #tpu.memory_space<semaphore_mem>>) src(%arg7 : memref<128x128xf32, #tpu.memory_space<vmem>>) dst(%dma_wait3A_300 : memref<200000x128xf32, #tpu.memory_space<hbm>>)
    %dma_wait3A_301 = arith.constant 19 : i32
    %dma_wait3A_302 = arith.constant 0 : i32
    %dma_wait3A_303 = tpu.memref_slice %arg8[%dma_wait3A_301, %dma_wait3A_302] : memref<21x128xi32, #tpu.memory_space<vmem>> -> memref<1x128xi32, #tpu.memory_space<vmem>>
    %dma_wait3A_304 = tpu.memref_squeeze %dma_wait3A_303 : memref<1x128xi32, #tpu.memory_space<vmem>> -> memref<128xi32, #tpu.memory_space<vmem>>
    %dma_wait3A_305 = arith.constant 0 : i32
    %dma_wait3A_306 = arith.constant 0 : i32
    %dma_wait3A_307 = tpu.memref_slice %arg5[%dma_wait3A_305, %dma_wait3A_306] : memref<200000x128xf32, #tpu.memory_space<hbm>> -> memref<200000x128xf32, #tpu.memory_space<hbm>>
    tpu.wait_indirect_dma semaphore(%arg9 : memref<!tpu.dma_semaphore, #tpu.memory_space<semaphore_mem>>) src(%arg7 : memref<128x128xf32, #tpu.memory_space<vmem>>) dst(%dma_wait3A_307 : memref<200000x128xf32, #tpu.memory_space<hbm>>)
    %dma_wait3A_308 = arith.constant 20 : i32
    %dma_wait3A_309 = arith.constant 0 : i32
    %dma_wait3A_310 = tpu.memref_slice %arg8[%dma_wait3A_308, %dma_wait3A_309] : memref<21x128xi32, #tpu.memory_space<vmem>> -> memref<1x128xi32, #tpu.memory_space<vmem>>
    %dma_wait3A_311 = tpu.memref_squeeze %dma_wait3A_310 : memref<1x128xi32, #tpu.memory_space<vmem>> -> memref<128xi32, #tpu.memory_space<vmem>>
    %dma_wait3A_312 = arith.constant 0 : i32
    %dma_wait3A_313 = arith.constant 0 : i32
    %dma_wait3A_314 = tpu.memref_slice %arg5[%dma_wait3A_312, %dma_wait3A_313] : memref<200000x128xf32, #tpu.memory_space<hbm>> -> memref<200000x128xf32, #tpu.memory_space<hbm>>
    tpu.wait_indirect_dma semaphore(%arg9 : memref<!tpu.dma_semaphore, #tpu.memory_space<semaphore_mem>>) src(%arg7 : memref<128x128xf32, #tpu.memory_space<vmem>>) dst(%dma_wait3A_314 : memref<200000x128xf32, #tpu.memory_space<hbm>>)
    return
  }
}

</mosaic_0001>

<sc_bundles>
// kernel: kernel.3.cloned.1.call-start
scs
__scs_entry_jumppad:
0x0: {  	(pc) =	sbr.rel $0x88, $3  }
0x1: {  	(tag) =	ssettag $0x0;
	lr =	simm.s32 $0x1  }
0x2: {  	[smem:$0x3F9F] =	sst lr;
	_ =	strace $0xD0000000  }
0x3: {  	_ = 	snop  }
0x4: {  	_ = 	snop  }
0x5: {  	_ = 	snop  }
0x6: {  	_ = 	snop  }
0x7: {  	_ = 	snop  }
__scs_overlays_trampoline_lowered:
0x8: {  	[smem:$0x3FAE] =	sst s0  }
0x9: {  	[smem:$0x3FAF] =	sst s1  }
0xa: {  	[smem:$0x3FB0] =	sst s2  }
0xb: {  	[smem:$0x3FB1] =	sst s3  }
0xc: {  	[smem:$0x3FB2] =	sst s4  }
0xd: {  	[smem:$0x3FB3] =	sst s5  }
0xe: {  	[smem:$0x3FB4] =	sst s6  }
0xf: {  	[smem:$0x3FB5] =	sst s7  }
0x10: {  	[smem:$0x3FB6] =	sst s8  }
0x11: {  	[smem:$0x3FB7] =	sst s9;
	s0 =	simm.s32 @!p0 $0x0  }
0x12: {  	s1 =	sld [smem:$0x3F9D];
	s0 =	simm.s32 @p0 $0x1  }
0x13: {  	[smem:$0x3FB8] =	sst s0;
	s0 =	simm.s32 @!p1 $0x0  }
0x14: {  	s2 =	sld [smem:$0x3F9C];
	s0 =	simm.s32 @p1 $0x1  }
0x15: {  	[smem:$0x3FB9] =	sst s0;
	s0 =	simm.s32 @!p2 $0x0  }
0x16: {  	s3 =	sld [smem:$0x3FDB];
	s0 =	simm.s32 @p2 $0x1  }
0x17: {  	s4 =	simm.s32 $0x1BF5;
	[smem:$0x3FBB] =	sst s0  }
0x18: {  	s0 =	sld [smem:$0x3F9E];
	_ =	swait.ge [sflag:s4], $0x0  }
0x19: {  	s7 =	sld [smem:$0x3F9F]  }
0x1a: {  	s8 =	sadd.s32 $0xFFFFE003, lr  }
0x1b: {  	s9 =	sadd.s32 $0xFFFFFEF7, lr;
	s5 =	simm.s32 $0xFFFFFFFF;
	p2 =	slt.u32 s8, $0xFFFFF086  }
0x1c: {  	p1 =	slt.u32 s9, $0xF7A;
	s5 =	simm.s32 @!p2 $0x0  }
0x1d: {  	s5 =	simm.s32 @p1 $0x1;
	p0 =	seq.s32 s7, s2  }
0x1e: {  	s7 =	smul.u32 @!p0 $0xF7A, s2;
	p2 =	seq.s32 @!p0 s5, $0x0  }
0x1f: {  	s9 =	smul.u32 $0xF7A, s1;
	s8 =	simm.s32 @!p0 $0x1BF5;
	p2 =	por !p2, p0  }
0x20: {  	[sflag:s8] =	ssyncset.s32 @!p0 $0xFFFFF086;
	s6 =	sadd.s32 @!p0 s3, s7;
	s7 =	simm.s32 @!p0 $0x108  }
0x21: {  	s3 =	sadd.s32 s3, s9;
	s6 =	sadd.s32 @!p0 $0x88, s6;
	s7 =	simm.s32 @p2 $0x1082  }
0x22: {  	[simem:s7], [sflag:s8] =	dma.local @!p0 [hbm:s6], $0xF7A  }
0x23: {  	s9 =	sor.u32 $0xD0000000, s2;
	s6 =	simm.s32 $0x108;
	_ =	swait.ge @!p0 [sflag:s8], $0x0  }
0x24: {  	s3 =	sadd.s32 $0x88, s3;
	s6 =	simm.s32 @!p1 $0x1082;
	[sflag:s4] =	ssyncset.s32 $0xFFFFF086  }
0x25: {  	[simem:s6], [sflag:s4] =	dma.local [hbm:s3], $0xF7A  }
0x26: {  	[smem:$0x3F9F] =	sst s1;
	(tag) =	ssettag s2;
	_ =	strace s9  }
0x27: {  	s1 =	sld [smem:$0x3FAF]  }
0x28: {  	s2 =	sld [smem:$0x3FB0]  }
0x29: {  	s4 =	sld [smem:$0x3FB2]  }
0x2a: {  	p0 =	seq.s32 s5, $0x0;
	s5 =	sld [smem:$0x3FB3]  }
0x2b: {  	s6 =	sld [smem:$0x3FB4]  }
0x2c: {  	s7 =	sld [smem:$0x3FB5]  }
0x2d: {  	s3 =	simm.s32 $0x108;
	s8 =	sld [smem:$0x3FB6]  }
0x2e: {  	s3 =	simm.s32 @!p0 $0x1082;
	s9 =	sld [smem:$0x3FB7]  }
0x2f: {  	lr =	sadd.s32 s0, s3;
	s0 =	sld [smem:$0x3FAE]  }
0x30: {  	s3 =	sld [smem:$0x3FB1]  }
0x31: {  	[smem:$0x3FBA] =	sst s10  }
0x32: {  	s10 =	sld [smem:$0x3FB8];
	_ =	sdelay $0x3  }
0x33: {  	p0 =	seq.s32 s10, $0x1;
	s10 =	sld [smem:$0x3FBA];
	_ =	sdelay $0x3  }
0x34: {  	[smem:$0x3FBA] =	sst s10  }
0x35: {  	s10 =	sld [smem:$0x3FB9];
	_ =	sdelay $0x3  }
0x36: {  	p1 =	seq.s32 s10, $0x1;
	s10 =	sld [smem:$0x3FBA];
	_ =	sdelay $0x3  }
0x37: {  	[smem:$0x3FBA] =	sst s10  }
0x38: {  	s10 =	sld [smem:$0x3FBB]  }
0x39: {  	_ = 	snop;
	(pc) =	sbr.ind lr, $3  }
0x3a: {  	_ = 	snop  }
0x3b: {  	_ = 	snop  }
0x3c: {  	p2 =	seq.s32 s10, $0x1;
	s10 =	sld [smem:$0x3FBA]  }
0x3d: {  	_ =	shalt  }
0x3e: {  	_ =	shalt  }
0x3f: {  	_ =	shalt  }
0x40: {  	_ =	shalt  }
0x41: {  	_ =	shalt  }
0x42: {  	_ =	shalt  }
0x43: {  	_ =	shalt  }
0x44: {  	_ =	shalt  }
0x45: {  	_ =	shalt  }
0x46: {  	_ =	shalt  }
0x47: {  	_ =	shalt  }
0x48: {  	_ =	shalt  }
0x49: {  	_ =	shalt  }
0x4a: {  	_ =	shalt  }
0x4b: {  	_ =	shalt  }
0x4c: {  	_ =	shalt  }
0x4d: {  	_ =	shalt  }
0x4e: {  	_ =	shalt  }
0x4f: {  	_ =	shalt  }
0x50: {  	_ =	shalt  }
0x51: {  	_ =	shalt  }
0x52: {  	_ =	shalt  }
0x53: {  	_ =	shalt  }
0x54: {  	_ =	shalt  }
0x55: {  	_ =	shalt  }
0x56: {  	_ =	shalt  }
0x57: {  	_ =	shalt  }
0x58: {  	_ =	shalt  }
0x59: {  	_ =	shalt  }
0x5a: {  	_ =	shalt  }
0x5b: {  	_ =	shalt  }
0x5c: {  	_ =	shalt  }
0x5d: {  	_ =	shalt  }
0x5e: {  	_ =	shalt  }
0x5f: {  	_ =	shalt  }
0x60: {  	_ =	shalt  }
0x61: {  	_ =	shalt  }
0x62: {  	_ =	shalt  }
0x63: {  	_ =	shalt  }
0x64: {  	_ =	shalt  }
0x65: {  	_ =	shalt  }
0x66: {  	_ =	shalt  }
0x67: {  	_ =	shalt  }
0x68: {  	_ =	shalt  }
0x69: {  	_ =	shalt  }
0x6a: {  	_ =	shalt  }
0x6b: {  	_ =	shalt  }
0x6c: {  	_ =	shalt  }
0x6d: {  	_ =	shalt  }
0x6e: {  	_ =	shalt  }
0x6f: {  	_ =	shalt  }
0x70: {  	_ =	shalt  }
0x71: {  	_ =	shalt  }
0x72: {  	_ =	shalt  }
0x73: {  	_ =	shalt  }
0x74: {  	_ =	shalt  }
0x75: {  	_ =	shalt  }
0x76: {  	_ =	shalt  }
0x77: {  	_ =	shalt  }
0x78: {  	_ =	shalt  }
0x79: {  	_ =	shalt  }
0x7a: {  	_ =	shalt  }
0x7b: {  	_ =	shalt  }
0x7c: {  	_ =	shalt  }
0x7d: {  	_ =	shalt  }
0x7e: {  	_ =	shalt  }
0x7f: {  	_ =	shalt  }
0x80: {  	_ =	shalt  }
0x81: {  	_ =	shalt  }
0x82: {  	_ =	shalt  }
0x83: {  	_ =	shalt  }
0x84: {  	_ =	shalt  }
0x85: {  	_ =	shalt  }
0x86: {  	_ =	shalt  }
0x87: {  	_ =	shalt  }
.Lfunc_end0:
.L_simem_size_0:
called_computation_lowered:
.L_overlay_start_0:
0x88: {  	s2 =	sld [smem:$0x3FD9]  }
0x89: {  	s3 =	sld [smem:$0x3FFE];
	_ =	sdelay $0x1  }
0x8a: {  	s1 =	srdreg.scid  }
0x8b: {  	s0 =	sand.u32 $0x1, s1  }
0x8c: {  	s14 =	sshll.u32 s0, $0xA;
	s2 =	sadd.s32 s3, s2  }
0x8d: {  	s2 =	sadd.s32 s2, s14  }
0x8e: {  	[smem:$0x3FC6] =	sst s2  }
0x8f: {  	_ = 	snop  }
0x90: {  	s2 =	sld [smem:$0x3FD0];
	_ =	sdelay $0x2  }
0x91: {  	s4 =	simm.s32 $0xA;
	s5 =	simm.s32 $0x10;
	s15 =	sld [smem:$0x3FC9]  }
0x92: {  	[smem:s5], [sflag:s4] =	dma.local [hbm:s2], $0x1  }
0x93: {  	_ =	swait.eq [sflag:s4], $0x1  }
0x94: {  	[sflag:s4] =	ssyncset.done $0x0  }
0x95: {  	s16 =	sld [smem:$0x10];
	[sflag:s4] =	ssyncadd.s32 $0xFFFFFFFF  }
0x96: {  	s17 =	sld [smem:$0x11];
	(tm) =	ssettm $0x1  }
0x97: {  	s18 =	sld [smem:$0x3FFB];
	_ =	sdelay $0x3  }
0x98: {  	_ =	strace s18  }
0x99: {  	s5 =	sld [smem:$0x3FFC];
	_ =	sdelay $0x3  }
0x9a: {  	_ =	strace s5  }
0x9b: {  	s5 =	sld [smem:$0x3FFD];
	_ =	sdelay $0x3  }
0x9c: {  	_ =	strace s5  }
0x9d: {  	_ =	strace $0x8FFFFFFF  }
0x9e: {  	s19 =	sld [smem:$0x3FDB];
	_ =	sdelay $0x1  }
0x9f: {  	s6 =	simm.s32 $_scs_section_size  }
0xa0: {  	s7 =	simm.s32 $_size__tile_overlayer_lowered;
	s8 =	simm.s32 $_tile_overlayer_lowered  }
0xa1: {  	s22 =	simm.s32 $0x1BFF;
	s21 =	sshll.u32 s8, $0x1;
	s5 =	sadd.s32 s6, s19  }
0xa2: {  	s9 =	simm.s32 $0x0;
	s20 =	sshll.u32 s7, $0x1;
	s7 =	sadd.s32 s21, s5  }
0xa3: {  	[timem:s9], [sflag:s22] =	dma.local [hbm:s7], s20  }
0xa4: {  	_ =	swait.ge [sflag:s22], s20  }
0xa5: {  	s6 =	ssub.s32 $0x0, s20;
	[sflag:s22] =	ssyncset.done $0x0  }
0xa6: {  	[sflag:s22] =	ssyncadd.s32 s6;
	_ =	sdelay $0x1  }
0xa7: {  	s23 =	simm.s32 $0x1B8B  }
0xa8: {  	_ =	swait.ge [sflag:s23], $0x1  }
0xa9: {  	[sflag:s23] =	ssyncset.done $0x0  }
0xaa: {  	s25 =	simm.s32 $0x1B8E;
	s24 =	sld [smem:$0x3FFE];
	[sflag:s23] =	ssyncadd.s32 $0xFFFFFFFF  }
0xab: {  	s26 =	simm.s32 $execute0_lowered;
	[smem:$0x3FD2] =	sst s25  }
0xac: {  	s7 =	sshll.u32 s26, $0x1;
	_ =	strace $0x80000046;
	[dreg:$0x1] =	wrdreg $0xFFFFFFFF  }
0xad: {  	s28 =	simm.s32 $_size_execute0_lowered;
	s5 =	sadd.s32 s5, s7;
	[dreg:$0x0] =	wrdreg $0x0  }
0xae: {  	s7 =	sshll.u32 s28, $0x1;
	[dreg:$0x2] =	wrdreg s5  }
0xaf: {  	[dreg:$0x3] =	wrdreg s7  }
0xb0: {  	[dreg:$0x4] =	wrdreg $0xC0  }
0xb1: {  	_ =	task [dreg:s9], $0x5FFFF  }
0xb2: {  	[dreg:$0x1] =	wrdreg $0xFFFFFFFF  }
0xb3: {  	[dreg:$0x0] =	wrdreg $0x60  }
0xb4: {  	[dreg:$0x2] =	wrdreg s15  }
0xb5: {  	[dreg:$0x3] =	wrdreg s17  }
0xb6: {  	[dreg:$0x4] =	wrdreg s24  }
0xb7: {  	[dreg:$0x5] =	wrdreg s16  }
0xb8: {  	[dreg:$0x6] =	wrdreg $0x9  }
0xb9: {  	_ =	task.clear_ibuf [dreg:s9], $0x7FFFF;
	_ =	strace $0x90000046  }
0xba: {  	s29 =	simm.s32 $0x9;
	_ =	strace $0x80000048  }
0xbb: {  	_ =	swait.ge [sflag:s29], $0x1  }
0xbc: {  	[sflag:s29] =	ssyncadd.s32 $0xFFFFFFFF  }
0xbd: {  	_ =	strace $0x90000048  }
0xbe: {  	_ =	sfence  }
0xbf: {  	s30 =	sld [smem:$0x0];
	_ =	sdelay $0x2  }
0xc0: {  	s31 =	sshll.u32 s1, $0xD;
	s1 =	sshrl.u32 s1, $0x2  }
0xc1: {  	s3 =	sand.u32 $0x4000, s31;
	s1 =	sadd.s32 s1, s30  }
0xc2: {  	s0 =	sor.u32 s3, s0;
	s1 =	sshll.u32 s1, $0x11  }
0xc3: {  	s0 =	sor.u32 s1, s0  }
0xc4: {  	s0 =	sadd.s32 $0x8F2B, s0  }
0xc5: {  	[sflag:s0] =	ssyncadd.remote.s32 $0x1  }
0xc6: {  	_ =	sfence.sel $0xFFFF  }
0xc7: {  	[dreg:$0x0] =	wrdreg $0xFFFFFFFF;
	(pc) =	sbr.abs _section_cstart, $3  }
0xc8: {  	[dreg:$0x1] =	wrdreg $0xFFFFFFFF  }
0xc9: {  	_ =	task.clear_ibuf [dreg:s9], $0x2FFFF;
	_ =	strace $0x9FFFFFFF  }
0xca: {  	(tm) =	ssettm $0x7FFFFFFF  }
0xcb: {  	_ =	shalt  }
tec
execute0_lowered:
.L_overlay_start_1:
0x0: {  	(tag) =	ssettag $0x1  }
0x1: {  	s1 =	rddreg [dreg:$0x0]  }
0x2: {  	s0 =	rddreg [dreg:$0x1];
	s2 =	srdreg.scid  }
0x3: {  	s3 =	stileid.u32;
	s4 =	rddreg [dreg:$0x2]  }
0x4: {  	p0 =	por $0x0, $0x0;
	s18 =	sand.u32 $0x1, s2;
	s19 =	sshll.u32 s3, $0x1  }
0x5: {  	s28 =	simm.s32 $0x18100;
	s29 =	simm.s32 $0x18180;
	s5 =	sor.u32 s18, s19  }
0x6: {  	s30 =	simm.s32 $0x18200;
	[dreg:$0x5] =	wrdreg s0;
	s6 =	smul.u32 $0x150, s5  }
0x7: {  	s2 =	rddreg [dreg:$0x3];
	s3 =	simm.s32 $0x0;
	s7 =	smul.u32 $0x186A0, s5  }
0x8: {  	s31 =	simm.s32 $0x18280;
	[smem:$0x7FF] =	sst s3;
	s5 =	smul.u32 $0xC3500, s5  }
0x9: {  	s0 =	ssub.s32 $0x2, s18;
	_ =	strace $0x80000047;
	s4 =	sadd.s32 s6, s4  }
0xa: {  	s20 =	sadd.s32 s1, s7;
	s5 =	sshrl.u32 s5, $0x3;
	s21 =	sadd.s32 s2, s7  }
0xb: {  	s6 =	simm.s32 $0x80;
	s4 =	sadd.s32 $0x600, s4;
	[dreg:$0x7] =	wrdreg s20  }
0xc: {  	s22 =	sadd.s32 $0x2710, s5;
	[dreg:$0x8] =	wrdreg s21;
	s25 =	sadd.s32 $0x4E20, s5  }
0xd: {  	s8 =	sadd.s32 $0x7530, s5;
	[dreg:$0x6] =	wrdreg s4;
	s23 =	sadd.s32 s1, s22  }
0xe: {  	s11 =	sadd.s32 $0x9C40, s5;
	s24 =	sadd.s32 s2, s22;
	[dreg:$0x9] =	wrdreg s23  }
0xf: {  	s14 =	sadd.s32 $0xC350, s5;
	s26 =	sadd.s32 s1, s25;
	[dreg:$0xa] =	wrdreg s24  }
0x10: {  	s17 =	sadd.s32 $0xEA60, s5;
	s7 =	sadd.s32 s2, s25;
	[dreg:$0xb] =	wrdreg s26  }
0x11: {  	s20 =	sadd.s32 $0x11170, s5;
	s9 =	sadd.s32 s1, s8;
	[dreg:$0xc] =	wrdreg s7  }
0x12: {  	s21 =	sshrl.u32 s0, $0x1;
	s10 =	sadd.s32 s2, s8;
	[dreg:$0xd] =	wrdreg s9  }
0x13: {  	s12 =	sadd.s32 s1, s11;
	s13 =	sadd.s32 s2, s11;
	[dreg:$0xe] =	wrdreg s10  }
0x14: {  	s15 =	sadd.s32 s1, s14;
	s16 =	sadd.s32 s2, s14;
	[dreg:$0xf] =	wrdreg s12  }
0x15: {  	s18 =	sadd.s32 s1, s17;
	s19 =	sadd.s32 s2, s17;
	[dreg:$0x10] =	wrdreg s13  }
0x16: {  	s22 =	sadd.s32 s1, s20;
	s0 =	ssub.s32 s0, s21;
	[dreg:$0x11] =	wrdreg s15  }
0x17: {  	s8 =	simm.s32 $0x2;
	s11 =	simm.s32 $0x17980;
	[dreg:$0x12] =	wrdreg s16  }
0x18: {  	s14 =	simm.s32 $0x17B00;
	s17 =	simm.s32 $0x17C80;
	[dreg:$0x13] =	wrdreg s18  }
0x19: {  	s21 =	simm.s32 $0x17E80;
	s4 =	simm.s32 $0x1;
	[dreg:$0x14] =	wrdreg s19  }
0x1a: {  	[dreg:$0x15] =	wrdreg s22;
	s23 =	sadd.s32 s2, s20;
	s24 =	sadd.s32 $0x13880, s5  }
0x1b: {  	s5 =	sadd.s32 $0x15F90, s5;
	s0 =	smax.u32 s0, $0x1;
	s9 =	simm.s32 $0x17880  }
0x1c: {  	s10 =	simm.s32 $0x17900;
	s12 =	simm.s32 $0x17A00;
	s13 =	simm.s32 $0x17A80  }
0x1d: {  	s15 =	simm.s32 $0x17B80;
	s16 =	simm.s32 $0x17C00;
	s18 =	simm.s32 $0x17D00  }
0x1e: {  	s19 =	simm.s32 $0x17D80;
	s20 =	simm.s32 $0x17E00;
	p1 =	sne.s32 s0, $0x1  }
.Ltmp0:
0x1f: {  	s22 =	simm.s32 $0x17F00;
	[dreg:$0x16] =	wrdreg s23;
	(pc) =	sbr.rel @!p1 .LBB2_3-.Ltmp0, $4  }
0x20: {  	s25 =	sadd.s32 s1, s24;
	s26 =	sadd.s32 s2, s24;
	s7 =	sadd.s32 s2, s5  }
0x21: {  	s23 =	simm.s32 $0x17F80;
	s24 =	simm.s32 $0x18000;
	[dreg:$0x17] =	wrdreg s25  }
0x22: {  	[dreg:$0x18] =	wrdreg s26;
	s25 =	sadd.s32 s1, s5;
	s5 =	simm.s32 $0x13880  }
0x23: {  	s1 =	sadd.s32 $0xFFFFFFFF, s0;
	s26 =	simm.s32 $0x18080;
	s0 =	rddreg [dreg:$0x5]  }
0x24: {  	[tilespmem:s5], [sflag:$0x2] =	stream.linear.gather [hbm4b:s0+s3], $0x4000, $0x38;
	[tilespmem:$0x18300] =	vst v63  }
0x25: {  	_ =	swait.ge [sflag:s8], $0x4000  }
0x26: {  	[sflag:s8] =	ssyncset.done $0x0  }
0x27: {  	s0 =	rddreg [dreg:$0x6];
	[sflag:s8] =	ssyncadd.s32 $0xFFFFC000  }
0x28: {  	[tilespmem:s9], [sflag:$0x2] =	stream.linear.gather [hbm4b:s0+s3], $0xA80, $0x38;
	[tilespmem:$0x18300] =	vst v63  }
0x29: {  	_ =	swait.ge [sflag:s8], $0xA80  }
0x2a: {  	[sflag:s8] =	ssyncset.done $0x0  }
0x2b: {  	s0 =	rddreg [dreg:$0x7];
	[sflag:s8] =	ssyncadd.s32 $0xFFFFF580  }
0x2c: {  	[tilespmem:s3], [sflag:$0x2] =	stream.linear.gather [hbm4b:s0+s3], $0x13880, $0x38;
	[tilespmem:$0x18300] =	vst v63  }
0x2d: {  	_ =	swait.ge [sflag:s8], $0x13880  }
0x2e: {  	[sflag:s8] =	ssyncset.done $0x0  }
0x2f: {  	s0 =	rddreg [dreg:$0x8];
	[sflag:s8] =	ssyncadd.s32 $0xFFFEC780  }
0x30: {  	[hbm4b:s0+s3] =	stream.linear.scatter [tilespmem:s3], [sflag:$0x2], $0x13880, $0x38;
	[tilespmem:$0x18300] =	vst v63  }
0x31: {  	_ =	swait.ge [sflag:s8], $0x13880  }
0x32: {  	[sflag:s8] =	ssyncset.done $0x0  }
0x33: {  	s0 =	rddreg [dreg:$0x9];
	[sflag:s8] =	ssyncadd.s32 $0xFFFEC780  }
0x34: {  	[tilespmem:s3], [sflag:$0x2] =	stream.linear.gather [hbm4b:s0+s3], $0x13880, $0x38;
	[tilespmem:$0x18300] =	vst v63  }
0x35: {  	_ =	swait.ge [sflag:s8], $0x13880  }
0x36: {  	[sflag:s8] =	ssyncset.done $0x0  }
0x37: {  	s0 =	rddreg [dreg:$0xa];
	[sflag:s8] =	ssyncadd.s32 $0xFFFEC780  }
0x38: {  	[hbm4b:s0+s3] =	stream.linear.scatter [tilespmem:s3], [sflag:$0x2], $0x13880, $0x38;
	[tilespmem:$0x18300] =	vst v63  }
0x39: {  	_ =	swait.ge [sflag:s8], $0x13880  }
0x3a: {  	[sflag:s8] =	ssyncset.done $0x0  }
0x3b: {  	s0 =	rddreg [dreg:$0xb];
	[sflag:s8] =	ssyncadd.s32 $0xFFFEC780  }
0x3c: {  	[tilespmem:s3], [sflag:$0x2] =	stream.linear.gather [hbm4b:s0+s3], $0x13880, $0x38;
	[tilespmem:$0x18300] =	vst v63  }
0x3d: {  	_ =	swait.ge [sflag:s8], $0x13880  }
0x3e: {  	[sflag:s8] =	ssyncset.done $0x0  }
0x3f: {  	s0 =	rddreg [dreg:$0xc];
	[sflag:s8] =	ssyncadd.s32 $0xFFFEC780  }
0x40: {  	[hbm4b:s0+s3] =	stream.linear.scatter [tilespmem:s3], [sflag:$0x2], $0x13880, $0x38;
	[tilespmem:$0x18300] =	vst v63  }
0x41: {  	_ =	swait.ge [sflag:s8], $0x13880  }
0x42: {  	[sflag:s8] =	ssyncset.done $0x0  }
0x43: {  	s0 =	rddreg [dreg:$0xd];
	[sflag:s8] =	ssyncadd.s32 $0xFFFEC780  }
0x44: {  	[tilespmem:s3], [sflag:$0x2] =	stream.linear.gather [hbm4b:s0+s3], $0x13880, $0x38;
	[tilespmem:$0x18300] =	vst v63  }
0x45: {  	_ =	swait.ge [sflag:s8], $0x13880  }
0x46: {  	[sflag:s8] =	ssyncset.done $0x0  }
0x47: {  	s0 =	rddreg [dreg:$0xe];
	[sflag:s8] =	ssyncadd.s32 $0xFFFEC780  }
0x48: {  	[hbm4b:s0+s3] =	stream.linear.scatter [tilespmem:s3], [sflag:$0x2], $0x13880, $0x38;
	[tilespmem:$0x18300] =	vst v63  }
0x49: {  	_ =	swait.ge [sflag:s8], $0x13880  }
0x4a: {  	[sflag:s8] =	ssyncset.done $0x0  }
0x4b: {  	s0 =	rddreg [dreg:$0xf];
	[sflag:s8] =	ssyncadd.s32 $0xFFFEC780  }
0x4c: {  	[tilespmem:s3], [sflag:$0x2] =	stream.linear.gather [hbm4b:s0+s3], $0x13880, $0x38;
	[tilespmem:$0x18300] =	vst v63  }
0x4d: {  	_ =	swait.ge [sflag:s8], $0x13880  }
0x4e: {  	[sflag:s8] =	ssyncset.done $0x0  }
0x4f: {  	s0 =	rddreg [dreg:$0x10];
	[sflag:s8] =	ssyncadd.s32 $0xFFFEC780  }
0x50: {  	[hbm4b:s0+s3] =	stream.linear.scatter [tilespmem:s3], [sflag:$0x2], $0x13880, $0x38;
	[tilespmem:$0x18300] =	vst v63  }
0x51: {  	_ =	swait.ge [sflag:s8], $0x13880  }
0x52: {  	[sflag:s8] =	ssyncset.done $0x0  }
0x53: {  	s0 =	rddreg [dreg:$0x11];
	[sflag:s8] =	ssyncadd.s32 $0xFFFEC780  }
0x54: {  	[tilespmem:s3], [sflag:$0x2] =	stream.linear.gather [hbm4b:s0+s3], $0x13880, $0x38;
	[tilespmem:$0x18300] =	vst v63  }
0x55: {  	_ =	swait.ge [sflag:s8], $0x13880  }
0x56: {  	[sflag:s8] =	ssyncset.done $0x0  }
0x57: {  	s0 =	rddreg [dreg:$0x12];
	[sflag:s8] =	ssyncadd.s32 $0xFFFEC780  }
0x58: {  	[hbm4b:s0+s3] =	stream.linear.scatter [tilespmem:s3], [sflag:$0x2], $0x13880, $0x38;
	[tilespmem:$0x18300] =	vst v63  }
0x59: {  	_ =	swait.ge [sflag:s8], $0x13880  }
0x5a: {  	[sflag:s8] =	ssyncset.done $0x0  }
0x5b: {  	s0 =	rddreg [dreg:$0x13];
	[sflag:s8] =	ssyncadd.s32 $0xFFFEC780  }
0x5c: {  	[tilespmem:s3], [sflag:$0x2] =	stream.linear.gather [hbm4b:s0+s3], $0x13880, $0x38;
	[tilespmem:$0x18300] =	vst v63  }
0x5d: {  	_ =	swait.ge [sflag:s8], $0x13880  }
0x5e: {  	[sflag:s8] =	ssyncset.done $0x0  }
0x5f: {  	s0 =	rddreg [dreg:$0x14];
	[sflag:s8] =	ssyncadd.s32 $0xFFFEC780  }
0x60: {  	[hbm4b:s0+s3] =	stream.linear.scatter [tilespmem:s3], [sflag:$0x2], $0x13880, $0x38;
	[tilespmem:$0x18300] =	vst v63  }
0x61: {  	_ =	swait.ge [sflag:s8], $0x13880  }
0x62: {  	[sflag:s8] =	ssyncset.done $0x0  }
0x63: {  	s0 =	rddreg [dreg:$0x15];
	[sflag:s8] =	ssyncadd.s32 $0xFFFEC780  }
0x64: {  	[tilespmem:s3], [sflag:$0x2] =	stream.linear.gather [hbm4b:s0+s3], $0x13880, $0x38;
	[tilespmem:$0x18300] =	vst v63  }
0x65: {  	_ =	swait.ge [sflag:s8], $0x13880  }
0x66: {  	[sflag:s8] =	ssyncset.done $0x0  }
0x67: {  	s0 =	rddreg [dreg:$0x16];
	[sflag:s8] =	ssyncadd.s32 $0xFFFEC780  }
0x68: {  	[hbm4b:s0+s3] =	stream.linear.scatter [tilespmem:s3], [sflag:$0x2], $0x13880, $0x38;
	[tilespmem:$0x18300] =	vst v63  }
0x69: {  	_ =	swait.ge [sflag:s8], $0x13880  }
0x6a: {  	[sflag:s8] =	ssyncset.done $0x0  }
0x6b: {  	s0 =	rddreg [dreg:$0x17];
	[sflag:s8] =	ssyncadd.s32 $0xFFFEC780  }
0x6c: {  	[tilespmem:s3], [sflag:$0x2] =	stream.linear.gather [hbm4b:s0+s3], $0x13880, $0x38;
	[tilespmem:$0x18300] =	vst v63  }
0x6d: {  	_ =	swait.ge [sflag:s8], $0x13880  }
0x6e: {  	[sflag:s8] =	ssyncset.done $0x0  }
0x6f: {  	s0 =	rddreg [dreg:$0x18];
	[sflag:s8] =	ssyncadd.s32 $0xFFFEC780  }
0x70: {  	[hbm4b:s0+s3] =	stream.linear.scatter [tilespmem:s3], [sflag:$0x2], $0x13880, $0x38;
	[tilespmem:$0x18300] =	vst v63  }
0x71: {  	_ =	swait.ge [sflag:s8], $0x13880  }
0x72: {  	[sflag:s8] =	ssyncset.done $0x0  }
0x73: {  	[sflag:s8] =	ssyncadd.s32 $0xFFFEC780  }
0x74: {  	[tilespmem:s3], [sflag:$0x2] =	stream.linear.gather [hbm4b:s25+s3], $0x13880, $0x38;
	[tilespmem:$0x18300] =	vst v63  }
0x75: {  	_ =	swait.ge [sflag:s8], $0x13880  }
0x76: {  	[sflag:s8] =	ssyncset.done $0x0  }
0x77: {  	[sflag:s8] =	ssyncadd.s32 $0xFFFEC780  }
0x78: {  	[hbm4b:s7+s3] =	stream.linear.scatter [tilespmem:s3], [sflag:$0x2], $0x13880, $0x38;
	[tilespmem:$0x18300] =	vst v63  }
0x79: {  	_ =	swait.ge [sflag:s8], $0x13880  }
0x7a: {  	[sflag:s8] =	ssyncset.done $0x0  }
0x7b: {  	[sflag:s8] =	ssyncadd.s32 $0xFFFEC780  }
0x7c: {  	[hbm4b:s2+s6] =	stream.indirect.scatter [tilespmem:s5], [sflag:$0x1], $0x80, s9, s6, $0xb8;
	[tilespmem:$0x18300] =	vst v63  }
0x7d: {  	_ = 	snop  }
0x7e: {  	[hbm4b:s2+s6] =	stream.indirect.scatter [tilespmem:s5], [sflag:$0x1], $0x80, s10, s6, $0xb8;
	[tilespmem:$0x18300] =	vst v63  }
0x7f: {  	_ = 	snop  }
0x80: {  	[hbm4b:s2+s6] =	stream.indirect.scatter [tilespmem:s5], [sflag:$0x1], $0x80, s11, s6, $0xb8;
	[tilespmem:$0x18300] =	vst v63  }
0x81: {  	_ = 	snop  }
0x82: {  	[hbm4b:s2+s6] =	stream.indirect.scatter [tilespmem:s5], [sflag:$0x1], $0x80, s12, s6, $0xb8;
	[tilespmem:$0x18300] =	vst v63  }
0x83: {  	_ = 	snop  }
0x84: {  	[hbm4b:s2+s6] =	stream.indirect.scatter [tilespmem:s5], [sflag:$0x1], $0x80, s13, s6, $0xb8;
	[tilespmem:$0x18300] =	vst v63  }
0x85: {  	_ = 	snop  }
0x86: {  	[hbm4b:s2+s6] =	stream.indirect.scatter [tilespmem:s5], [sflag:$0x1], $0x80, s14, s6, $0xb8;
	[tilespmem:$0x18300] =	vst v63  }
0x87: {  	_ = 	snop  }
0x88: {  	[hbm4b:s2+s6] =	stream.indirect.scatter [tilespmem:s5], [sflag:$0x1], $0x80, s15, s6, $0xb8;
	[tilespmem:$0x18300] =	vst v63  }
0x89: {  	_ = 	snop  }
0x8a: {  	[hbm4b:s2+s6] =	stream.indirect.scatter [tilespmem:s5], [sflag:$0x1], $0x80, s16, s6, $0xb8;
	[tilespmem:$0x18300] =	vst v63  }
0x8b: {  	_ = 	snop  }
0x8c: {  	[hbm4b:s2+s6] =	stream.indirect.scatter [tilespmem:s5], [sflag:$0x1], $0x80, s17, s6, $0xb8;
	[tilespmem:$0x18300] =	vst v63  }
0x8d: {  	_ = 	snop  }
0x8e: {  	[hbm4b:s2+s6] =	stream.indirect.scatter [tilespmem:s5], [sflag:$0x1], $0x80, s18, s6, $0xb8;
	[tilespmem:$0x18300] =	vst v63  }
0x8f: {  	_ = 	snop  }
0x90: {  	[hbm4b:s2+s6] =	stream.indirect.scatter [tilespmem:s5], [sflag:$0x1], $0x80, s19, s6, $0xb8;
	[tilespmem:$0x18300] =	vst v63  }
0x91: {  	_ = 	snop  }
0x92: {  	[hbm4b:s2+s6] =	stream.indirect.scatter [tilespmem:s5], [sflag:$0x1], $0x80, s20, s6, $0xb8;
	[tilespmem:$0x18300] =	vst v63  }
0x93: {  	_ = 	snop  }
0x94: {  	[hbm4b:s2+s6] =	stream.indirect.scatter [tilespmem:s5], [sflag:$0x1], $0x80, s21, s6, $0xb8;
	[tilespmem:$0x18300] =	vst v63  }
0x95: {  	_ = 	snop  }
0x96: {  	[hbm4b:s2+s6] =	stream.indirect.scatter [tilespmem:s5], [sflag:$0x1], $0x80, s22, s6, $0xb8;
	[tilespmem:$0x18300] =	vst v63  }
0x97: {  	_ = 	snop  }
0x98: {  	[hbm4b:s2+s6] =	stream.indirect.scatter [tilespmem:s5], [sflag:$0x1], $0x80, s23, s6, $0xb8;
	[tilespmem:$0x18300] =	vst v63  }
0x99: {  	_ = 	snop  }
0x9a: {  	[hbm4b:s2+s6] =	stream.indirect.scatter [tilespmem:s5], [sflag:$0x1], $0x80, s24, s6, $0xb8;
	[tilespmem:$0x18300] =	vst v63  }
0x9b: {  	_ = 	snop  }
0x9c: {  	[hbm4b:s2+s6] =	stream.indirect.scatter [tilespmem:s5], [sflag:$0x1], $0x80, s26, s6, $0xb8;
	[tilespmem:$0x18300] =	vst v63  }
0x9d: {  	_ = 	snop  }
0x9e: {  	[hbm4b:s2+s6] =	stream.indirect.scatter [tilespmem:s5], [sflag:$0x1], $0x80, s28, s6, $0xb8;
	[tilespmem:$0x18300] =	vst v63  }
0x9f: {  	_ = 	snop  }
0xa0: {  	[hbm4b:s2+s6] =	stream.indirect.scatter [tilespmem:s5], [sflag:$0x1], $0x80, s29, s6, $0xb8;
	[tilespmem:$0x18300] =	vst v63  }
0xa1: {  	_ = 	snop  }
0xa2: {  	[hbm4b:s2+s6] =	stream.indirect.scatter [tilespmem:s5], [sflag:$0x1], $0x80, s30, s6, $0xb8;
	[tilespmem:$0x18300] =	vst v63  }
0xa3: {  	_ = 	snop  }
0xa4: {  	[hbm4b:s2+s6] =	stream.indirect.scatter [tilespmem:s5], [sflag:$0x1], $0x80, s31, s6, $0xb8;
	[tilespmem:$0x18300] =	vst v63  }
0xa5: {  	_ =	swait.ge [sflag:s4], $0x4000  }
0xa6: {  	[sflag:s4] =	ssyncset.done $0x0  }
0xa7: {  	[sflag:s4] =	ssyncadd.s32 $0xFFFFC000  }
0xa8: {  	_ =	swait.ge [sflag:s4], $0x4000  }
0xa9: {  	[sflag:s4] =	ssyncset.done $0x0  }
0xaa: {  	[sflag:s4] =	ssyncadd.s32 $0xFFFFC000  }
0xab: {  	_ =	swait.ge [sflag:s4], $0x4000  }
0xac: {  	[sflag:s4] =	ssyncset.done $0x0  }
0xad: {  	[sflag:s4] =	ssyncadd.s32 $0xFFFFC000  }
0xae: {  	_ =	swait.ge [sflag:s4], $0x4000  }
0xaf: {  	[sflag:s4] =	ssyncset.done $0x0  }
0xb0: {  	[sflag:s4] =	ssyncadd.s32 $0xFFFFC000  }
0xb1: {  	_ =	swait.ge [sflag:s4], $0x4000  }
0xb2: {  	[sflag:s4] =	ssyncset.done $0x0  }
0xb3: {  	[sflag:s4] =	ssyncadd.s32 $0xFFFFC000  }
0xb4: {  	_ =	swait.ge [sflag:s4], $0x4000  }
0xb5: {  	[sflag:s4] =	ssyncset.done $0x0  }
0xb6: {  	[sflag:s4] =	ssyncadd.s32 $0xFFFFC000  }
0xb7: {  	_ =	swait.ge [sflag:s4], $0x4000  }
0xb8: {  	[sflag:s4] =	ssyncset.done $0x0  }
0xb9: {  	[sflag:s4] =	ssyncadd.s32 $0xFFFFC000  }
0xba: {  	_ =	swait.ge [sflag:s4], $0x4000  }
0xbb: {  	[sflag:s4] =	ssyncset.done $0x0  }
0xbc: {  	[sflag:s4] =	ssyncadd.s32 $0xFFFFC000  }
0xbd: {  	_ =	swait.ge [sflag:s4], $0x4000  }
0xbe: {  	[sflag:s4] =	ssyncset.done $0x0  }
0xbf: {  	[sflag:s4] =	ssyncadd.s32 $0xFFFFC000  }
0xc0: {  	_ =	swait.ge [sflag:s4], $0x4000  }
0xc1: {  	[sflag:s4] =	ssyncset.done $0x0  }
0xc2: {  	[sflag:s4] =	ssyncadd.s32 $0xFFFFC000  }
0xc3: {  	_ =	swait.ge [sflag:s4], $0x4000  }
0xc4: {  	[sflag:s4] =	ssyncset.done $0x0  }
0xc5: {  	[sflag:s4] =	ssyncadd.s32 $0xFFFFC000  }
0xc6: {  	_ =	swait.ge [sflag:s4], $0x4000  }
0xc7: {  	[sflag:s4] =	ssyncset.done $0x0  }
0xc8: {  	[sflag:s4] =	ssyncadd.s32 $0xFFFFC000  }
0xc9: {  	_ =	swait.ge [sflag:s4], $0x4000  }
0xca: {  	[sflag:s4] =	ssyncset.done $0x0  }
0xcb: {  	[sflag:s4] =	ssyncadd.s32 $0xFFFFC000  }
0xcc: {  	_ =	swait.ge [sflag:s4], $0x4000  }
0xcd: {  	[sflag:s4] =	ssyncset.done $0x0  }
0xce: {  	[sflag:s4] =	ssyncadd.s32 $0xFFFFC000  }
0xcf: {  	_ =	swait.ge [sflag:s4], $0x4000  }
0xd0: {  	[sflag:s4] =	ssyncset.done $0x0  }
0xd1: {  	[sflag:s4] =	ssyncadd.s32 $0xFFFFC000  }
0xd2: {  	_ =	swait.ge [sflag:s4], $0x4000  }
0xd3: {  	[sflag:s4] =	ssyncset.done $0x0  }
0xd4: {  	[sflag:s4] =	ssyncadd.s32 $0xFFFFC000  }
0xd5: {  	_ =	swait.ge [sflag:s4], $0x4000  }
0xd6: {  	[sflag:s4] =	ssyncset.done $0x0  }
0xd7: {  	[sflag:s4] =	ssyncadd.s32 $0xFFFFC000  }
0xd8: {  	_ =	swait.ge [sflag:s4], $0x4000  }
0xd9: {  	[sflag:s4] =	ssyncset.done $0x0  }
0xda: {  	[sflag:s4] =	ssyncadd.s32 $0xFFFFC000  }
0xdb: {  	_ =	swait.ge [sflag:s4], $0x4000  }
0xdc: {  	[sflag:s4] =	ssyncset.done $0x0  }
0xdd: {  	p1 =	sne.s32 s1, $0x1;
	[sflag:s4] =	ssyncadd.s32 $0xFFFFC000  }
.Ltmp1:
0xde: {  	_ =	swait.ge [sflag:s4], $0x4000;
	(pc) =	sbr.rel @!p1 .LBB2_3-.Ltmp1, $4  }
0xdf: {  	[sflag:s4] =	ssyncset.done $0x0  }
0xe0: {  	[sflag:s4] =	ssyncadd.s32 $0xFFFFC000  }
0xe1: {  	s1 =	sadd.s32 $0xFFFFFFFF, s1;
	_ =	swait.ge [sflag:s4], $0x4000  }
0xe2: {  	p0 =	por $0x1, $0x1;
	s0 =	rddreg [dreg:$0x5];
	[sflag:s4] =	ssyncset.done $0x0  }
.LBB2_2:
0xe3: {  	[sflag:s4] =	ssyncadd.s32 $0xFFFFC000  }
0xe4: {  	[tilespmem:s5], [sflag:$0x2] =	stream.linear.gather [hbm4b:s0+s3], $0x4000, $0x38;
	[tilespmem:$0x18300] =	vst v63  }
0xe5: {  	_ =	swait.ge [sflag:s8], $0x4000  }
0xe6: {  	[sflag:s8] =	ssyncset.done $0x0  }
0xe7: {  	s0 =	rddreg [dreg:$0x6];
	[sflag:s8] =	ssyncadd.s32 $0xFFFFC000  }
0xe8: {  	[tilespmem:s9], [sflag:$0x2] =	stream.linear.gather [hbm4b:s0+s3], $0xA80, $0x38;
	[tilespmem:$0x18300] =	vst v63  }
0xe9: {  	_ =	swait.ge [sflag:s8], $0xA80  }
0xea: {  	[sflag:s8] =	ssyncset.done $0x0  }
0xeb: {  	s0 =	rddreg [dreg:$0x7];
	[sflag:s8] =	ssyncadd.s32 $0xFFFFF580  }
0xec: {  	[tilespmem:s3], [sflag:$0x2] =	stream.linear.gather [hbm4b:s0+s3], $0x13880, $0x38;
	[tilespmem:$0x18300] =	vst v63  }
0xed: {  	_ =	swait.ge [sflag:s8], $0x13880  }
0xee: {  	[sflag:s8] =	ssyncset.done $0x0  }
0xef: {  	s0 =	rddreg [dreg:$0x8];
	[sflag:s8] =	ssyncadd.s32 $0xFFFEC780  }
0xf0: {  	[hbm4b:s0+s3] =	stream.linear.scatter [tilespmem:s3], [sflag:$0x2], $0x13880, $0x38;
	[tilespmem:$0x18300] =	vst v63  }
0xf1: {  	_ =	swait.ge [sflag:s8], $0x13880  }
0xf2: {  	[sflag:s8] =	ssyncset.done $0x0  }
0xf3: {  	s0 =	rddreg [dreg:$0x9];
	[sflag:s8] =	ssyncadd.s32 $0xFFFEC780  }
0xf4: {  	[tilespmem:s3], [sflag:$0x2] =	stream.linear.gather [hbm4b:s0+s3], $0x13880, $0x38;
	[tilespmem:$0x18300] =	vst v63  }
0xf5: {  	_ =	swait.ge [sflag:s8], $0x13880  }
0xf6: {  	[sflag:s8] =	ssyncset.done $0x0  }
0xf7: {  	s0 =	rddreg [dreg:$0xa];
	[sflag:s8] =	ssyncadd.s32 $0xFFFEC780  }
0xf8: {  	[hbm4b:s0+s3] =	stream.linear.scatter [tilespmem:s3], [sflag:$0x2], $0x13880, $0x38;
	[tilespmem:$0x18300] =	vst v63  }
0xf9: {  	_ =	swait.ge [sflag:s8], $0x13880  }
0xfa: {  	[sflag:s8] =	ssyncset.done $0x0  }
0xfb: {  	s0 =	rddreg [dreg:$0xb];
	[sflag:s8] =	ssyncadd.s32 $0xFFFEC780  }
0xfc: {  	[tilespmem:s3], [sflag:$0x2] =	stream.linear.gather [hbm4b:s0+s3], $0x13880, $0x38;
	[tilespmem:$0x18300] =	vst v63  }
0xfd: {  	_ =	swait.ge [sflag:s8], $0x13880  }
0xfe: {  	[sflag:s8] =	ssyncset.done $0x0  }
0xff: {  	s0 =	rddreg [dreg:$0xc];
	[sflag:s8] =	ssyncadd.s32 $0xFFFEC780  }
0x100: {  	[hbm4b:s0+s3] =	stream.linear.scatter [tilespmem:s3], [sflag:$0x2], $0x13880, $0x38;
	[tilespmem:$0x18300] =	vst v63  }
0x101: {  	_ =	swait.ge [sflag:s8], $0x13880  }
0x102: {  	[sflag:s8] =	ssyncset.done $0x0  }
0x103: {  	s0 =	rddreg [dreg:$0xd];
	[sflag:s8] =	ssyncadd.s32 $0xFFFEC780  }
0x104: {  	[tilespmem:s3], [sflag:$0x2] =	stream.linear.gather [hbm4b:s0+s3], $0x13880, $0x38;
	[tilespmem:$0x18300] =	vst v63  }
0x105: {  	_ =	swait.ge [sflag:s8], $0x13880  }
0x106: {  	[sflag:s8] =	ssyncset.done $0x0  }
0x107: {  	s0 =	rddreg [dreg:$0xe];
	[sflag:s8] =	ssyncadd.s32 $0xFFFEC780  }
0x108: {  	[hbm4b:s0+s3] =	stream.linear.scatter [tilespmem:s3], [sflag:$0x2], $0x13880, $0x38;
	[tilespmem:$0x18300] =	vst v63  }
0x109: {  	_ =	swait.ge [sflag:s8], $0x13880  }
0x10a: {  	[sflag:s8] =	ssyncset.done $0x0  }
0x10b: {  	s0 =	rddreg [dreg:$0xf];
	[sflag:s8] =	ssyncadd.s32 $0xFFFEC780  }
0x10c: {  	[tilespmem:s3], [sflag:$0x2] =	stream.linear.gather [hbm4b:s0+s3], $0x13880, $0x38;
	[tilespmem:$0x18300] =	vst v63  }
0x10d: {  	_ =	swait.ge [sflag:s8], $0x13880  }
0x10e: {  	[sflag:s8] =	ssyncset.done $0x0  }
0x10f: {  	s0 =	rddreg [dreg:$0x10];
	[sflag:s8] =	ssyncadd.s32 $0xFFFEC780  }
0x110: {  	[hbm4b:s0+s3] =	stream.linear.scatter [tilespmem:s3], [sflag:$0x2], $0x13880, $0x38;
	[tilespmem:$0x18300] =	vst v63  }
0x111: {  	_ =	swait.ge [sflag:s8], $0x13880  }
0x112: {  	[sflag:s8] =	ssyncset.done $0x0  }
0x113: {  	s0 =	rddreg [dreg:$0x11];
	[sflag:s8] =	ssyncadd.s32 $0xFFFEC780  }
0x114: {  	[tilespmem:s3], [sflag:$0x2] =	stream.linear.gather [hbm4b:s0+s3], $0x13880, $0x38;
	[tilespmem:$0x18300] =	vst v63  }
0x115: {  	_ =	swait.ge [sflag:s8], $0x13880  }
0x116: {  	[sflag:s8] =	ssyncset.done $0x0  }
0x117: {  	s0 =	rddreg [dreg:$0x12];
	[sflag:s8] =	ssyncadd.s32 $0xFFFEC780  }
0x118: {  	[hbm4b:s0+s3] =	stream.linear.scatter [tilespmem:s3], [sflag:$0x2], $0x13880, $0x38;
	[tilespmem:$0x18300] =	vst v63  }
0x119: {  	_ =	swait.ge [sflag:s8], $0x13880  }
0x11a: {  	[sflag:s8] =	ssyncset.done $0x0  }
0x11b: {  	s0 =	rddreg [dreg:$0x13];
	[sflag:s8] =	ssyncadd.s32 $0xFFFEC780  }
0x11c: {  	[tilespmem:s3], [sflag:$0x2] =	stream.linear.gather [hbm4b:s0+s3], $0x13880, $0x38;
	[tilespmem:$0x18300] =	vst v63  }
0x11d: {  	_ =	swait.ge [sflag:s8], $0x13880  }
0x11e: {  	[sflag:s8] =	ssyncset.done $0x0  }
0x11f: {  	s0 =	rddreg [dreg:$0x14];
	[sflag:s8] =	ssyncadd.s32 $0xFFFEC780  }
0x120: {  	[hbm4b:s0+s3] =	stream.linear.scatter [tilespmem:s3], [sflag:$0x2], $0x13880, $0x38;
	[tilespmem:$0x18300] =	vst v63  }
0x121: {  	_ =	swait.ge [sflag:s8], $0x13880  }
0x122: {  	[sflag:s8] =	ssyncset.done $0x0  }
0x123: {  	s0 =	rddreg [dreg:$0x15];
	[sflag:s8] =	ssyncadd.s32 $0xFFFEC780  }
0x124: {  	[tilespmem:s3], [sflag:$0x2] =	stream.linear.gather [hbm4b:s0+s3], $0x13880, $0x38;
	[tilespmem:$0x18300] =	vst v63  }
0x125: {  	_ =	swait.ge [sflag:s8], $0x13880  }
0x126: {  	[sflag:s8] =	ssyncset.done $0x0  }
0x127: {  	s0 =	rddreg [dreg:$0x16];
	[sflag:s8] =	ssyncadd.s32 $0xFFFEC780  }
0x128: {  	[hbm4b:s0+s3] =	stream.linear.scatter [tilespmem:s3], [sflag:$0x2], $0x13880, $0x38;
	[tilespmem:$0x18300] =	vst v63  }
0x129: {  	_ =	swait.ge [sflag:s8], $0x13880  }
0x12a: {  	[sflag:s8] =	ssyncset.done $0x0  }
0x12b: {  	s0 =	rddreg [dreg:$0x17];
	[sflag:s8] =	ssyncadd.s32 $0xFFFEC780  }
0x12c: {  	[tilespmem:s3], [sflag:$0x2] =	stream.linear.gather [hbm4b:s0+s3], $0x13880, $0x38;
	[tilespmem:$0x18300] =	vst v63  }
0x12d: {  	_ =	swait.ge [sflag:s8], $0x13880  }
0x12e: {  	[sflag:s8] =	ssyncset.done $0x0  }
0x12f: {  	s0 =	rddreg [dreg:$0x18];
	[sflag:s8] =	ssyncadd.s32 $0xFFFEC780  }
0x130: {  	[hbm4b:s0+s3] =	stream.linear.scatter [tilespmem:s3], [sflag:$0x2], $0x13880, $0x38;
	[tilespmem:$0x18300] =	vst v63  }
0x131: {  	_ =	swait.ge [sflag:s8], $0x13880  }
0x132: {  	[sflag:s8] =	ssyncset.done $0x0  }
0x133: {  	[sflag:s8] =	ssyncadd.s32 $0xFFFEC780  }
0x134: {  	[tilespmem:s3], [sflag:$0x2] =	stream.linear.gather [hbm4b:s25+s3], $0x13880, $0x38;
	[tilespmem:$0x18300] =	vst v63  }
0x135: {  	_ =	swait.ge [sflag:s8], $0x13880  }
0x136: {  	[sflag:s8] =	ssyncset.done $0x0  }
0x137: {  	[sflag:s8] =	ssyncadd.s32 $0xFFFEC780  }
0x138: {  	[hbm4b:s7+s3] =	stream.linear.scatter [tilespmem:s3], [sflag:$0x2], $0x13880, $0x38;
	[tilespmem:$0x18300] =	vst v63  }
0x139: {  	_ =	swait.ge [sflag:s8], $0x13880  }
0x13a: {  	[sflag:s8] =	ssyncset.done $0x0  }
0x13b: {  	[sflag:s8] =	ssyncadd.s32 $0xFFFEC780  }
0x13c: {  	[hbm4b:s2+s6] =	stream.indirect.scatter [tilespmem:s5], [sflag:$0x1], $0x80, s9, s6, $0xb8;
	[tilespmem:$0x18300] =	vst v63  }
0x13d: {  	_ = 	snop  }
0x13e: {  	[hbm4b:s2+s6] =	stream.indirect.scatter [tilespmem:s5], [sflag:$0x1], $0x80, s10, s6, $0xb8;
	[tilespmem:$0x18300] =	vst v63  }
0x13f: {  	_ = 	snop  }
0x140: {  	[hbm4b:s2+s6] =	stream.indirect.scatter [tilespmem:s5], [sflag:$0x1], $0x80, s11, s6, $0xb8;
	[tilespmem:$0x18300] =	vst v63  }
0x141: {  	_ = 	snop  }
0x142: {  	[hbm4b:s2+s6] =	stream.indirect.scatter [tilespmem:s5], [sflag:$0x1], $0x80, s12, s6, $0xb8;
	[tilespmem:$0x18300] =	vst v63  }
0x143: {  	_ = 	snop  }
0x144: {  	[hbm4b:s2+s6] =	stream.indirect.scatter [tilespmem:s5], [sflag:$0x1], $0x80, s13, s6, $0xb8;
	[tilespmem:$0x18300] =	vst v63  }
0x145: {  	_ = 	snop  }
0x146: {  	[hbm4b:s2+s6] =	stream.indirect.scatter [tilespmem:s5], [sflag:$0x1], $0x80, s14, s6, $0xb8;
	[tilespmem:$0x18300] =	vst v63  }
0x147: {  	_ = 	snop  }
0x148: {  	[hbm4b:s2+s6] =	stream.indirect.scatter [tilespmem:s5], [sflag:$0x1], $0x80, s15, s6, $0xb8;
	[tilespmem:$0x18300] =	vst v63  }
0x149: {  	_ = 	snop  }
0x14a: {  	[hbm4b:s2+s6] =	stream.indirect.scatter [tilespmem:s5], [sflag:$0x1], $0x80, s16, s6, $0xb8;
	[tilespmem:$0x18300] =	vst v63  }
0x14b: {  	_ = 	snop  }
0x14c: {  	[hbm4b:s2+s6] =	stream.indirect.scatter [tilespmem:s5], [sflag:$0x1], $0x80, s17, s6, $0xb8;
	[tilespmem:$0x18300] =	vst v63  }
0x14d: {  	_ = 	snop  }
0x14e: {  	[hbm4b:s2+s6] =	stream.indirect.scatter [tilespmem:s5], [sflag:$0x1], $0x80, s18, s6, $0xb8;
	[tilespmem:$0x18300] =	vst v63  }
0x14f: {  	_ = 	snop  }
0x150: {  	[hbm4b:s2+s6] =	stream.indirect.scatter [tilespmem:s5], [sflag:$0x1], $0x80, s19, s6, $0xb8;
	[tilespmem:$0x18300] =	vst v63  }
0x151: {  	_ = 	snop  }
0x152: {  	[hbm4b:s2+s6] =	stream.indirect.scatter [tilespmem:s5], [sflag:$0x1], $0x80, s20, s6, $0xb8;
	[tilespmem:$0x18300] =	vst v63  }
0x153: {  	_ = 	snop  }
0x154: {  	[hbm4b:s2+s6] =	stream.indirect.scatter [tilespmem:s5], [sflag:$0x1], $0x80, s21, s6, $0xb8;
	[tilespmem:$0x18300] =	vst v63  }
0x155: {  	_ = 	snop  }
0x156: {  	[hbm4b:s2+s6] =	stream.indirect.scatter [tilespmem:s5], [sflag:$0x1], $0x80, s22, s6, $0xb8;
	[tilespmem:$0x18300] =	vst v63  }
0x157: {  	_ = 	snop  }
0x158: {  	[hbm4b:s2+s6] =	stream.indirect.scatter [tilespmem:s5], [sflag:$0x1], $0x80, s23, s6, $0xb8;
	[tilespmem:$0x18300] =	vst v63  }
0x159: {  	_ = 	snop  }
0x15a: {  	[hbm4b:s2+s6] =	stream.indirect.scatter [tilespmem:s5], [sflag:$0x1], $0x80, s24, s6, $0xb8;
	[tilespmem:$0x18300] =	vst v63  }
0x15b: {  	_ = 	snop  }
0x15c: {  	[hbm4b:s2+s6] =	stream.indirect.scatter [tilespmem:s5], [sflag:$0x1], $0x80, s26, s6, $0xb8;
	[tilespmem:$0x18300] =	vst v63  }
0x15d: {  	_ = 	snop  }
0x15e: {  	[hbm4b:s2+s6] =	stream.indirect.scatter [tilespmem:s5], [sflag:$0x1], $0x80, s28, s6, $0xb8;
	[tilespmem:$0x18300] =	vst v63  }
0x15f: {  	_ = 	snop  }
0x160: {  	[hbm4b:s2+s6] =	stream.indirect.scatter [tilespmem:s5], [sflag:$0x1], $0x80, s29, s6, $0xb8;
	[tilespmem:$0x18300] =	vst v63  }
0x161: {  	_ = 	snop  }
0x162: {  	[hbm4b:s2+s6] =	stream.indirect.scatter [tilespmem:s5], [sflag:$0x1], $0x80, s30, s6, $0xb8;
	[tilespmem:$0x18300] =	vst v63  }
0x163: {  	_ = 	snop  }
0x164: {  	[hbm4b:s2+s6] =	stream.indirect.scatter [tilespmem:s5], [sflag:$0x1], $0x80, s31, s6, $0xb8;
	[tilespmem:$0x18300] =	vst v63  }
0x165: {  	_ =	swait.ge [sflag:s4], $0x4000  }
0x166: {  	[sflag:s4] =	ssyncset.done $0x0  }
0x167: {  	[sflag:s4] =	ssyncadd.s32 $0xFFFFC000  }
0x168: {  	_ =	swait.ge [sflag:s4], $0x4000  }
0x169: {  	[sflag:s4] =	ssyncset.done $0x0  }
0x16a: {  	[sflag:s4] =	ssyncadd.s32 $0xFFFFC000  }
0x16b: {  	_ =	swait.ge [sflag:s4], $0x4000  }
0x16c: {  	[sflag:s4] =	ssyncset.done $0x0  }
0x16d: {  	[sflag:s4] =	ssyncadd.s32 $0xFFFFC000  }
0x16e: {  	_ =	swait.ge [sflag:s4], $0x4000  }
0x16f: {  	[sflag:s4] =	ssyncset.done $0x0  }
0x170: {  	[sflag:s4] =	ssyncadd.s32 $0xFFFFC000  }
0x171: {  	_ =	swait.ge [sflag:s4], $0x4000  }
0x172: {  	[sflag:s4] =	ssyncset.done $0x0  }
0x173: {  	[sflag:s4] =	ssyncadd.s32 $0xFFFFC000  }
0x174: {  	_ =	swait.ge [sflag:s4], $0x4000  }
0x175: {  	[sflag:s4] =	ssyncset.done $0x0  }
0x176: {  	[sflag:s4] =	ssyncadd.s32 $0xFFFFC000  }
0x177: {  	_ =	swait.ge [sflag:s4], $0x4000  }
0x178: {  	[sflag:s4] =	ssyncset.done $0x0  }
0x179: {  	[sflag:s4] =	ssyncadd.s32 $0xFFFFC000  }
0x17a: {  	_ =	swait.ge [sflag:s4], $0x4000  }
0x17b: {  	[sflag:s4] =	ssyncset.done $0x0  }
0x17c: {  	[sflag:s4] =	ssyncadd.s32 $0xFFFFC000  }
0x17d: {  	_ =	swait.ge [sflag:s4], $0x4000  }
0x17e: {  	[sflag:s4] =	ssyncset.done $0x0  }
0x17f: {  	[sflag:s4] =	ssyncadd.s32 $0xFFFFC000  }
0x180: {  	_ =	swait.ge [sflag:s4], $0x4000  }
0x181: {  	[sflag:s4] =	ssyncset.done $0x0  }
0x182: {  	[sflag:s4] =	ssyncadd.s32 $0xFFFFC000  }
0x183: {  	_ =	swait.ge [sflag:s4], $0x4000  }
0x184: {  	[sflag:s4] =	ssyncset.done $0x0  }
0x185: {  	[sflag:s4] =	ssyncadd.s32 $0xFFFFC000  }
0x186: {  	_ =	swait.ge [sflag:s4], $0x4000  }
0x187: {  	[sflag:s4] =	ssyncset.done $0x0  }
0x188: {  	[sflag:s4] =	ssyncadd.s32 $0xFFFFC000  }
0x189: {  	_ =	swait.ge [sflag:s4], $0x4000  }
0x18a: {  	[sflag:s4] =	ssyncset.done $0x0  }
0x18b: {  	[sflag:s4] =	ssyncadd.s32 $0xFFFFC000  }
0x18c: {  	_ =	swait.ge [sflag:s4], $0x4000  }
0x18d: {  	[sflag:s4] =	ssyncset.done $0x0  }
0x18e: {  	[sflag:s4] =	ssyncadd.s32 $0xFFFFC000  }
0x18f: {  	_ =	swait.ge [sflag:s4], $0x4000  }
0x190: {  	[sflag:s4] =	ssyncset.done $0x0  }
0x191: {  	[sflag:s4] =	ssyncadd.s32 $0xFFFFC000  }
0x192: {  	_ =	swait.ge [sflag:s4], $0x4000  }
0x193: {  	[sflag:s4] =	ssyncset.done $0x0  }
0x194: {  	[sflag:s4] =	ssyncadd.s32 $0xFFFFC000  }
0x195: {  	_ =	swait.ge [sflag:s4], $0x4000  }
0x196: {  	[sflag:s4] =	ssyncset.done $0x0  }
0x197: {  	[sflag:s4] =	ssyncadd.s32 $0xFFFFC000  }
0x198: {  	_ =	swait.ge [sflag:s4], $0x4000  }
0x199: {  	[sflag:s4] =	ssyncset.done $0x0  }
0x19a: {  	[sflag:s4] =	ssyncadd.s32 $0xFFFFC000  }
0x19b: {  	_ =	swait.ge [sflag:s4], $0x4000  }
0x19c: {  	[sflag:s4] =	ssyncset.done $0x0  }
0x19d: {  	p1 =	sne.s32 s1, $0x1;
	[sflag:s4] =	ssyncadd.s32 $0xFFFFC000  }
.Ltmp2:
0x19e: {  	_ =	swait.ge [sflag:s4], $0x4000;
	(pc) =	sbr.rel @p1 .LBB2_2-.Ltmp2, $4  }
0x19f: {  	[sflag:s4] =	ssyncset.done $0x0  }
0x1a0: {  	[sflag:s4] =	ssyncadd.s32 $0xFFFFC000  }
0x1a1: {  	_ =	swait.ge [sflag:s4], $0x4000  }
0x1a2: {  	s1 =	sadd.s32 $0xFFFFFFFF, s1;
	s0 =	rddreg [dreg:$0x5];
	[sflag:s4] =	ssyncset.done $0x0  }
.LBB2_3:
0x1a3: {  	[sflag:s4] =	ssyncadd.s32 @p0 $0xFFFFC000  }
0x1a4: {  	[tilespmem:s5], [sflag:$0x2] =	stream.linear.gather [hbm4b:s0+s3], $0x4000, $0x38;
	[tilespmem:$0x18300] =	vst v63  }
0x1a5: {  	_ =	swait.ge [sflag:s8], $0x4000  }
0x1a6: {  	[sflag:s8] =	ssyncset.done $0x0  }
0x1a7: {  	s1 =	rddreg [dreg:$0x6];
	[sflag:s8] =	ssyncadd.s32 $0xFFFFC000  }
0x1a8: {  	[tilespmem:s9], [sflag:$0x2] =	stream.linear.gather [hbm4b:s1+s3], $0xA80, $0x38;
	[tilespmem:$0x18300] =	vst v63  }
0x1a9: {  	_ =	swait.ge [sflag:s8], $0xA80  }
0x1aa: {  	[sflag:s8] =	ssyncset.done $0x0  }
0x1ab: {  	s1 =	rddreg [dreg:$0x7];
	[sflag:s8] =	ssyncadd.s32 $0xFFFFF580  }
0x1ac: {  	[tilespmem:s3], [sflag:$0x2] =	stream.linear.gather [hbm4b:s1+s3], $0x13880, $0x38;
	[tilespmem:$0x18300] =	vst v63  }
0x1ad: {  	_ =	swait.ge [sflag:s8], $0x13880  }
0x1ae: {  	[sflag:s8] =	ssyncset.done $0x0  }
0x1af: {  	s1 =	rddreg [dreg:$0x8];
	[sflag:s8] =	ssyncadd.s32 $0xFFFEC780  }
0x1b0: {  	[hbm4b:s1+s3] =	stream.linear.scatter [tilespmem:s3], [sflag:$0x2], $0x13880, $0x38;
	[tilespmem:$0x18300] =	vst v63  }
0x1b1: {  	_ =	swait.ge [sflag:s8], $0x13880  }
0x1b2: {  	[sflag:s8] =	ssyncset.done $0x0  }
0x1b3: {  	s1 =	rddreg [dreg:$0x9];
	[sflag:s8] =	ssyncadd.s32 $0xFFFEC780  }
0x1b4: {  	[tilespmem:s3], [sflag:$0x2] =	stream.linear.gather [hbm4b:s1+s3], $0x13880, $0x38;
	[tilespmem:$0x18300] =	vst v63  }
0x1b5: {  	_ =	swait.ge [sflag:s8], $0x13880  }
0x1b6: {  	[sflag:s8] =	ssyncset.done $0x0  }
0x1b7: {  	s1 =	rddreg [dreg:$0xa];
	[sflag:s8] =	ssyncadd.s32 $0xFFFEC780  }
0x1b8: {  	[hbm4b:s1+s3] =	stream.linear.scatter [tilespmem:s3], [sflag:$0x2], $0x13880, $0x38;
	[tilespmem:$0x18300] =	vst v63  }
0x1b9: {  	_ =	swait.ge [sflag:s8], $0x13880  }
0x1ba: {  	[sflag:s8] =	ssyncset.done $0x0  }
0x1bb: {  	s1 =	rddreg [dreg:$0xb];
	[sflag:s8] =	ssyncadd.s32 $0xFFFEC780  }
0x1bc: {  	[tilespmem:s3], [sflag:$0x2] =	stream.linear.gather [hbm4b:s1+s3], $0x13880, $0x38;
	[tilespmem:$0x18300] =	vst v63  }
0x1bd: {  	_ =	swait.ge [sflag:s8], $0x13880  }
0x1be: {  	[sflag:s8] =	ssyncset.done $0x0  }
0x1bf: {  	s1 =	rddreg [dreg:$0xc];
	[sflag:s8] =	ssyncadd.s32 $0xFFFEC780  }
0x1c0: {  	[hbm4b:s1+s3] =	stream.linear.scatter [tilespmem:s3], [sflag:$0x2], $0x13880, $0x38;
	[tilespmem:$0x18300] =	vst v63  }
0x1c1: {  	_ =	swait.ge [sflag:s8], $0x13880  }
0x1c2: {  	[sflag:s8] =	ssyncset.done $0x0  }
0x1c3: {  	s1 =	rddreg [dreg:$0xd];
	[sflag:s8] =	ssyncadd.s32 $0xFFFEC780  }
0x1c4: {  	[tilespmem:s3], [sflag:$0x2] =	stream.linear.gather [hbm4b:s1+s3], $0x13880, $0x38;
	[tilespmem:$0x18300] =	vst v63  }
0x1c5: {  	_ =	swait.ge [sflag:s8], $0x13880  }
0x1c6: {  	[sflag:s8] =	ssyncset.done $0x0  }
0x1c7: {  	s1 =	rddreg [dreg:$0xe];
	[sflag:s8] =	ssyncadd.s32 $0xFFFEC780  }
0x1c8: {  	[hbm4b:s1+s3] =	stream.linear.scatter [tilespmem:s3], [sflag:$0x2], $0x13880, $0x38;
	[tilespmem:$0x18300] =	vst v63  }
0x1c9: {  	_ =	swait.ge [sflag:s8], $0x13880  }
0x1ca: {  	[sflag:s8] =	ssyncset.done $0x0  }
0x1cb: {  	s1 =	rddreg [dreg:$0xf];
	[sflag:s8] =	ssyncadd.s32 $0xFFFEC780  }
0x1cc: {  	[tilespmem:s3], [sflag:$0x2] =	stream.linear.gather [hbm4b:s1+s3], $0x13880, $0x38;
	[tilespmem:$0x18300] =	vst v63  }
0x1cd: {  	_ =	swait.ge [sflag:s8], $0x13880  }
0x1ce: {  	[sflag:s8] =	ssyncset.done $0x0  }
0x1cf: {  	s1 =	rddreg [dreg:$0x10];
	[sflag:s8] =	ssyncadd.s32 $0xFFFEC780  }
0x1d0: {  	[hbm4b:s1+s3] =	stream.linear.scatter [tilespmem:s3], [sflag:$0x2], $0x13880, $0x38;
	[tilespmem:$0x18300] =	vst v63  }
0x1d1: {  	_ =	swait.ge [sflag:s8], $0x13880  }
0x1d2: {  	[sflag:s8] =	ssyncset.done $0x0  }
0x1d3: {  	s1 =	rddreg [dreg:$0x11];
	[sflag:s8] =	ssyncadd.s32 $0xFFFEC780  }
0x1d4: {  	[tilespmem:s3], [sflag:$0x2] =	stream.linear.gather [hbm4b:s1+s3], $0x13880, $0x38;
	[tilespmem:$0x18300] =	vst v63  }
0x1d5: {  	_ =	swait.ge [sflag:s8], $0x13880  }
0x1d6: {  	[sflag:s8] =	ssyncset.done $0x0  }
0x1d7: {  	s1 =	rddreg [dreg:$0x12];
	[sflag:s8] =	ssyncadd.s32 $0xFFFEC780  }
0x1d8: {  	[hbm4b:s1+s3] =	stream.linear.scatter [tilespmem:s3], [sflag:$0x2], $0x13880, $0x38;
	[tilespmem:$0x18300] =	vst v63  }
0x1d9: {  	_ =	swait.ge [sflag:s8], $0x13880  }
0x1da: {  	[sflag:s8] =	ssyncset.done $0x0  }
0x1db: {  	s1 =	rddreg [dreg:$0x13];
	[sflag:s8] =	ssyncadd.s32 $0xFFFEC780  }
0x1dc: {  	[tilespmem:s3], [sflag:$0x2] =	stream.linear.gather [hbm4b:s1+s3], $0x13880, $0x38;
	[tilespmem:$0x18300] =	vst v63  }
0x1dd: {  	_ =	swait.ge [sflag:s8], $0x13880  }
0x1de: {  	[sflag:s8] =	ssyncset.done $0x0  }
0x1df: {  	s1 =	rddreg [dreg:$0x14];
	[sflag:s8] =	ssyncadd.s32 $0xFFFEC780  }
0x1e0: {  	[hbm4b:s1+s3] =	stream.linear.scatter [tilespmem:s3], [sflag:$0x2], $0x13880, $0x38;
	[tilespmem:$0x18300] =	vst v63  }
0x1e1: {  	_ =	swait.ge [sflag:s8], $0x13880  }
0x1e2: {  	[sflag:s8] =	ssyncset.done $0x0  }
0x1e3: {  	s1 =	rddreg [dreg:$0x15];
	[sflag:s8] =	ssyncadd.s32 $0xFFFEC780  }
0x1e4: {  	[tilespmem:s3], [sflag:$0x2] =	stream.linear.gather [hbm4b:s1+s3], $0x13880, $0x38;
	[tilespmem:$0x18300] =	vst v63  }
0x1e5: {  	_ =	swait.ge [sflag:s8], $0x13880  }
0x1e6: {  	[sflag:s8] =	ssyncset.done $0x0  }
0x1e7: {  	s1 =	rddreg [dreg:$0x16];
	[sflag:s8] =	ssyncadd.s32 $0xFFFEC780  }
0x1e8: {  	[hbm4b:s1+s3] =	stream.linear.scatter [tilespmem:s3], [sflag:$0x2], $0x13880, $0x38;
	[tilespmem:$0x18300] =	vst v63  }
0x1e9: {  	_ =	swait.ge [sflag:s8], $0x13880  }
0x1ea: {  	[sflag:s8] =	ssyncset.done $0x0  }
0x1eb: {  	s1 =	rddreg [dreg:$0x17];
	[sflag:s8] =	ssyncadd.s32 $0xFFFEC780  }
0x1ec: {  	[tilespmem:s3], [sflag:$0x2] =	stream.linear.gather [hbm4b:s1+s3], $0x13880, $0x38;
	[tilespmem:$0x18300] =	vst v63  }
0x1ed: {  	_ =	swait.ge [sflag:s8], $0x13880  }
0x1ee: {  	[sflag:s8] =	ssyncset.done $0x0  }
0x1ef: {  	s1 =	rddreg [dreg:$0x18];
	[sflag:s8] =	ssyncadd.s32 $0xFFFEC780  }
0x1f0: {  	[hbm4b:s1+s3] =	stream.linear.scatter [tilespmem:s3], [sflag:$0x2], $0x13880, $0x38;
	[tilespmem:$0x18300] =	vst v63  }
0x1f1: {  	_ =	swait.ge [sflag:s8], $0x13880  }
0x1f2: {  	[sflag:s8] =	ssyncset.done $0x0  }
0x1f3: {  	[sflag:s8] =	ssyncadd.s32 $0xFFFEC780  }
0x1f4: {  	[tilespmem:s3], [sflag:$0x2] =	stream.linear.gather [hbm4b:s25+s3], $0x13880, $0x38;
	[tilespmem:$0x18300] =	vst v63  }
0x1f5: {  	_ =	swait.ge [sflag:s8], $0x13880  }
0x1f6: {  	[sflag:s8] =	ssyncset.done $0x0  }
0x1f7: {  	[sflag:s8] =	ssyncadd.s32 $0xFFFEC780  }
0x1f8: {  	[hbm4b:s7+s3] =	stream.linear.scatter [tilespmem:s3], [sflag:$0x2], $0x13880, $0x38;
	[tilespmem:$0x18300] =	vst v63  }
0x1f9: {  	_ =	swait.ge [sflag:s8], $0x13880  }
0x1fa: {  	[sflag:s8] =	ssyncset.done $0x0  }
0x1fb: {  	[sflag:s8] =	ssyncadd.s32 $0xFFFEC780  }
0x1fc: {  	[hbm4b:s2+s6] =	stream.indirect.scatter [tilespmem:s5], [sflag:$0x1], $0x80, s9, s6, $0xb8;
	[tilespmem:$0x18300] =	vst v63  }
0x1fd: {  	_ = 	snop  }
0x1fe: {  	[hbm4b:s2+s6] =	stream.indirect.scatter [tilespmem:s5], [sflag:$0x1], $0x80, s10, s6, $0xb8;
	[tilespmem:$0x18300] =	vst v63  }
0x1ff: {  	_ = 	snop  }
0x200: {  	[hbm4b:s2+s6] =	stream.indirect.scatter [tilespmem:s5], [sflag:$0x1], $0x80, s11, s6, $0xb8;
	[tilespmem:$0x18300] =	vst v63  }
0x201: {  	_ = 	snop  }
0x202: {  	[hbm4b:s2+s6] =	stream.indirect.scatter [tilespmem:s5], [sflag:$0x1], $0x80, s12, s6, $0xb8;
	[tilespmem:$0x18300] =	vst v63  }
0x203: {  	_ = 	snop  }
0x204: {  	[hbm4b:s2+s6] =	stream.indirect.scatter [tilespmem:s5], [sflag:$0x1], $0x80, s13, s6, $0xb8;
	[tilespmem:$0x18300] =	vst v63  }
0x205: {  	_ = 	snop  }
0x206: {  	[hbm4b:s2+s6] =	stream.indirect.scatter [tilespmem:s5], [sflag:$0x1], $0x80, s14, s6, $0xb8;
	[tilespmem:$0x18300] =	vst v63  }
0x207: {  	_ = 	snop  }
0x208: {  	[hbm4b:s2+s6] =	stream.indirect.scatter [tilespmem:s5], [sflag:$0x1], $0x80, s15, s6, $0xb8;
	[tilespmem:$0x18300] =	vst v63  }
0x209: {  	_ = 	snop  }
0x20a: {  	[hbm4b:s2+s6] =	stream.indirect.scatter [tilespmem:s5], [sflag:$0x1], $0x80, s16, s6, $0xb8;
	[tilespmem:$0x18300] =	vst v63  }
0x20b: {  	_ = 	snop  }
0x20c: {  	[hbm4b:s2+s6] =	stream.indirect.scatter [tilespmem:s5], [sflag:$0x1], $0x80, s17, s6, $0xb8;
	[tilespmem:$0x18300] =	vst v63  }
0x20d: {  	_ = 	snop  }
0x20e: {  	[hbm4b:s2+s6] =	stream.indirect.scatter [tilespmem:s5], [sflag:$0x1], $0x80, s18, s6, $0xb8;
	[tilespmem:$0x18300] =	vst v63  }
0x20f: {  	_ = 	snop  }
0x210: {  	[hbm4b:s2+s6] =	stream.indirect.scatter [tilespmem:s5], [sflag:$0x1], $0x80, s19, s6, $0xb8;
	[tilespmem:$0x18300] =	vst v63  }
0x211: {  	_ = 	snop  }
0x212: {  	[hbm4b:s2+s6] =	stream.indirect.scatter [tilespmem:s5], [sflag:$0x1], $0x80, s20, s6, $0xb8;
	[tilespmem:$0x18300] =	vst v63  }
0x213: {  	_ = 	snop  }
0x214: {  	[hbm4b:s2+s6] =	stream.indirect.scatter [tilespmem:s5], [sflag:$0x1], $0x80, s21, s6, $0xb8;
	[tilespmem:$0x18300] =	vst v63  }
0x215: {  	_ = 	snop  }
0x216: {  	[hbm4b:s2+s6] =	stream.indirect.scatter [tilespmem:s5], [sflag:$0x1], $0x80, s22, s6, $0xb8;
	[tilespmem:$0x18300] =	vst v63  }
0x217: {  	_ = 	snop  }
0x218: {  	[hbm4b:s2+s6] =	stream.indirect.scatter [tilespmem:s5], [sflag:$0x1], $0x80, s23, s6, $0xb8;
	[tilespmem:$0x18300] =	vst v63  }
0x219: {  	_ = 	snop  }
0x21a: {  	[hbm4b:s2+s6] =	stream.indirect.scatter [tilespmem:s5], [sflag:$0x1], $0x80, s24, s6, $0xb8;
	[tilespmem:$0x18300] =	vst v63  }
0x21b: {  	_ = 	snop  }
0x21c: {  	[hbm4b:s2+s6] =	stream.indirect.scatter [tilespmem:s5], [sflag:$0x1], $0x80, s26, s6, $0xb8;
	[tilespmem:$0x18300] =	vst v63  }
0x21d: {  	_ = 	snop  }
0x21e: {  	[hbm4b:s2+s6] =	stream.indirect.scatter [tilespmem:s5], [sflag:$0x1], $0x80, s28, s6, $0xb8;
	[tilespmem:$0x18300] =	vst v63  }
0x21f: {  	_ = 	snop  }
0x220: {  	[hbm4b:s2+s6] =	stream.indirect.scatter [tilespmem:s5], [sflag:$0x1], $0x80, s29, s6, $0xb8;
	[tilespmem:$0x18300] =	vst v63  }
0x221: {  	_ = 	snop  }
0x222: {  	[hbm4b:s2+s6] =	stream.indirect.scatter [tilespmem:s5], [sflag:$0x1], $0x80, s30, s6, $0xb8;
	[tilespmem:$0x18300] =	vst v63  }
0x223: {  	_ = 	snop  }
0x224: {  	[hbm4b:s2+s6] =	stream.indirect.scatter [tilespmem:s5], [sflag:$0x1], $0x80, s31, s6, $0xb8;
	[tilespmem:$0x18300] =	vst v63  }
0x225: {  	_ =	swait.ge [sflag:s4], $0x4000  }
0x226: {  	[sflag:s4] =	ssyncset.done $0x0  }
0x227: {  	[sflag:s4] =	ssyncadd.s32 $0xFFFFC000  }
0x228: {  	_ =	swait.ge [sflag:s4], $0x4000  }
0x229: {  	[sflag:s4] =	ssyncset.done $0x0  }
0x22a: {  	[sflag:s4] =	ssyncadd.s32 $0xFFFFC000  }
0x22b: {  	_ =	swait.ge [sflag:s4], $0x4000  }
0x22c: {  	[sflag:s4] =	ssyncset.done $0x0  }
0x22d: {  	[sflag:s4] =	ssyncadd.s32 $0xFFFFC000  }
0x22e: {  	_ =	swait.ge [sflag:s4], $0x4000  }
0x22f: {  	[sflag:s4] =	ssyncset.done $0x0  }
0x230: {  	[sflag:s4] =	ssyncadd.s32 $0xFFFFC000  }
0x231: {  	_ =	swait.ge [sflag:s4], $0x4000  }
0x232: {  	[sflag:s4] =	ssyncset.done $0x0  }
0x233: {  	[sflag:s4] =	ssyncadd.s32 $0xFFFFC000  }
0x234: {  	_ =	swait.ge [sflag:s4], $0x4000  }
0x235: {  	[sflag:s4] =	ssyncset.done $0x0  }
0x236: {  	[sflag:s4] =	ssyncadd.s32 $0xFFFFC000  }
0x237: {  	_ =	swait.ge [sflag:s4], $0x4000  }
0x238: {  	[sflag:s4] =	ssyncset.done $0x0  }
0x239: {  	[sflag:s4] =	ssyncadd.s32 $0xFFFFC000  }
0x23a: {  	_ =	swait.ge [sflag:s4], $0x4000  }
0x23b: {  	[sflag:s4] =	ssyncset.done $0x0  }
0x23c: {  	[sflag:s4] =	ssyncadd.s32 $0xFFFFC000  }
0x23d: {  	_ =	swait.ge [sflag:s4], $0x4000  }
0x23e: {  	[sflag:s4] =	ssyncset.done $0x0  }
0x23f: {  	[sflag:s4] =	ssyncadd.s32 $0xFFFFC000  }
0x240: {  	_ =	swait.ge [sflag:s4], $0x4000  }
0x241: {  	[sflag:s4] =	ssyncset.done $0x0  }
0x242: {  	[sflag:s4] =	ssyncadd.s32 $0xFFFFC000  }
0x243: {  	_ =	swait.ge [sflag:s4], $0x4000  }
0x244: {  	[sflag:s4] =	ssyncset.done $0x0  }
0x245: {  	[sflag:s4] =	ssyncadd.s32 $0xFFFFC000  }
0x246: {  	_ =	swait.ge [sflag:s4], $0x4000  }
0x247: {  	[sflag:s4] =	ssyncset.done $0x0  }
0x248: {  	[sflag:s4] =	ssyncadd.s32 $0xFFFFC000  }
0x249: {  	_ =	swait.ge [sflag:s4], $0x4000  }
0x24a: {  	[sflag:s4] =	ssyncset.done $0x0  }
0x24b: {  	[sflag:s4] =	ssyncadd.s32 $0xFFFFC000  }
0x24c: {  	_ =	swait.ge [sflag:s4], $0x4000  }
0x24d: {  	[sflag:s4] =	ssyncset.done $0x0  }
0x24e: {  	[sflag:s4] =	ssyncadd.s32 $0xFFFFC000  }
0x24f: {  	_ =	swait.ge [sflag:s4], $0x4000  }
0x250: {  	[sflag:s4] =	ssyncset.done $0x0  }
0x251: {  	[sflag:s4] =	ssyncadd.s32 $0xFFFFC000  }
0x252: {  	_ =	swait.ge [sflag:s4], $0x4000  }
0x253: {  	[sflag:s4] =	ssyncset.done $0x0  }
0x254: {  	[sflag:s4] =	ssyncadd.s32 $0xFFFFC000  }
0x255: {  	_ =	swait.ge [sflag:s4], $0x4000  }
0x256: {  	[sflag:s4] =	ssyncset.done $0x0  }
0x257: {  	[sflag:s4] =	ssyncadd.s32 $0xFFFFC000  }
0x258: {  	_ =	swait.ge [sflag:s4], $0x4000  }
0x259: {  	[sflag:s4] =	ssyncset.done $0x0  }
0x25a: {  	[sflag:s4] =	ssyncadd.s32 $0xFFFFC000  }
0x25b: {  	_ =	swait.ge [sflag:s4], $0x4000  }
0x25c: {  	[sflag:s4] =	ssyncset.done $0x0  }
0x25d: {  	[sflag:s4] =	ssyncadd.s32 $0xFFFFC000  }
0x25e: {  	_ =	swait.ge [sflag:s4], $0x4000  }
0x25f: {  	[sflag:s4] =	ssyncset.done $0x0  }
0x260: {  	[sflag:s4] =	ssyncadd.s32 $0xFFFFC000  }
0x261: {  	_ =	swait.ge [sflag:s4], $0x4000  }
0x262: {  	[sflag:s4] =	ssyncset.done $0x0  }
0x263: {  	[sflag:s4] =	ssyncadd.s32 $0xFFFFC000  }
0x264: {  	_ =	sfence.sel $0x180000  }
0x265: {  	[bflag:$0x0] =	sbarrier.arrive $0xFFFF  }
0x266: {  	_ =	strace $0x90000047  }
0x267: {  	s31 =	stileid.u32;
	[bflag:$0x2] =	sbarrier.arrive $0xFFFF  }
0x268: {  	p0 =	sne.s32 s31, $0x0;
	s0 =	rddreg [dreg:$0x4]  }
0x269: {  	s0 =	sadd.s32 @!p0 $0x100000, s0  }
0x26a: {  	[sflag:s0] =	ssyncadd.tile.s32 @!p0 $0x1;
	_ =	shalt  }
.Lfunc_end2:
_tile_overlayer_lowered:
.L_overlay_start_2:
0x26b: {  	(tag) =	ssettag $0x2  }
0x26c: {  	s0 =	rddreg [dreg:$0x0];
	s2 =	stileid.u32  }
0x26d: {  	s1 =	rddreg [dreg:$0x1];
	p0 =	sne.s32 s2, $0x0  }
0x26e: {  	s3 =	rddreg [dreg:$0x2];
	[bflag:$0x3] =	sbarrier.arrive $0xFFFF;
	s2 =	simm.s32 @!p0 $0x1C02  }
0x26f: {  	[timem:s3], [sflag:s2] =	dma.local @!p0 [hbm:s0], s1  }
0x270: {  	s0 =	simm.s32 @!p0 $0x2  }
0x271: {  	_ =	swait.ge @!p0 [sflag:s0], s1  }
0x272: {  	s1 =	ssub.s32 @!p0 $0x0, s1;
	[sflag:s0] =	ssyncset.done @!p0 $0x0  }
0x273: {  	[sflag:s0] =	ssyncadd.s32 @!p0 s1  }
0x274: {  	[bflag:$0x3] =	sbarrier.arrive $0xFFFF  }
0x275: {  	_ =	shalt  }

</sc_bundles>
